<compile_context>
chip_gen: v7x
topology: tpu7x:2x2x1
jax: 0.10.2.dev20260603
libtpu: 0.0.44.dev20260713+nightly
codegen_flags: <defaults>
</compile_context>

<pallas_src>
import functools

import jax
import jax.numpy as jnp
from jax import lax
from jax.experimental import pallas as pl
from jax.experimental.pallas import tpu as pltpu
from jax.experimental.pallas import tpu_sc as plsc

N_HIDDEN = 128
EMB = 16
BATCH = 16384
N_TEACH = 100000
N_TEACH_PAD = 100352
STAGE = N_TEACH_PAD // 16
N_MAT = 1000
N_MAT_PAD = 1024
NW = 32
BPW = BATCH // NW
BSC = 51200
BS = 8192


def _score_body(w_ref, tT_ref, mT_ref, ot_ref, om_ref):
    wt = w_ref[0, N_HIDDEN:N_HIDDEN + EMB].reshape(EMB, 1)
    wm = w_ref[0, N_HIDDEN + EMB:].reshape(EMB, 1)
    ot_ref[...] = jnp.sum(tT_ref[...] * wt, axis=0)
    om_ref[...] = jnp.sum(mT_ref[...] * wm, axis=0)


def _scores(w, tT, mT):
    grid = (N_TEACH_PAD + BSC - 1) // BSC
    return pl.pallas_call(
        _score_body,
        grid=(grid,),
        in_specs=[
            pl.BlockSpec((1, N_HIDDEN + 2 * EMB), lambda i: (0, 0)),
            pl.BlockSpec((EMB, BSC), lambda i: (0, i)),
            pl.BlockSpec((EMB, N_MAT_PAD), lambda i: (0, 0)),
        ],
        out_specs=(pl.BlockSpec((BSC,), lambda i: (i,)),
                   pl.BlockSpec((N_MAT_PAD,), lambda i: (0,))),
        out_shape=(jax.ShapeDtypeStruct((N_TEACH_PAD,), jnp.float32),
                   jax.ShapeDtypeStruct((N_MAT_PAD,), jnp.float32)),
    )(w, tT, mT)


def _sc_gather_scores(score_t, score_m, tid, mid):
    mesh = plsc.VectorSubcoreMesh(core_axis_name="c", subcore_axis_name="s")

    @functools.partial(
        pl.kernel,
        mesh=mesh,
        compiler_params=pltpu.CompilerParams(
            use_tc_tiling_on_sc=False, needs_layout_passes=False),
        out_type=jax.ShapeDtypeStruct((BATCH,), jnp.float32),
        scratch_types=[
            pltpu.VMEM((BPW,), jnp.int32),
            pltpu.VMEM((BPW,), jnp.int32),
            pltpu.VMEM((BPW,), jnp.float32),
            pltpu.VMEM((N_MAT_PAD,), jnp.float32),
            pltpu.VMEM((BPW,), jnp.float32),
            pltpu.VMEM_SHARED((N_TEACH_PAD,), jnp.float32),
            pltpu.SemaphoreType.DMA,
        ],
    )
    def k(st_hbm, sm_hbm, tid_hbm, mid_hbm, out_hbm,
          tid_v, mid_v, tval_v, sm_v, y_v, st_sh, sem):
        sid = lax.axis_index("s")
        wid = sid * 2 + lax.axis_index("c")
        base = wid * BPW
        pltpu.sync_copy(st_hbm.at[pl.ds(sid * STAGE, STAGE)],
                        st_sh.at[pl.ds(sid * STAGE, STAGE)])
        pltpu.sync_copy(tid_hbm.at[pl.ds(base, BPW)], tid_v)
        pltpu.sync_copy(mid_hbm.at[pl.ds(base, BPW)], mid_v)
        pltpu.sync_copy(sm_hbm, sm_v)
        plsc.subcore_barrier()
        pltpu.async_copy(st_sh.at[tid_v], tval_v, sem).wait()
        for g in range(BPW // 16):
            mval = plsc.load_gather(sm_v, [mid_v[pl.ds(g * 16, 16)]])
            y_v[pl.ds(g * 16, 16)] = tval_v[pl.ds(g * 16, 16)] + mval
        pltpu.sync_copy(y_v, out_hbm.at[pl.ds(base, BPW)])

    return k(score_t, score_m, tid, mid)


def _head_body(b_ref, w_ref, h_ref, o_ref):
    whc = w_ref[0, :N_HIDDEN].reshape(N_HIDDEN, 1)
    yh = jax.lax.dot_general(h_ref[...], whc, (((1,), (0,)), ((), ())),
                             preferred_element_type=jnp.float32)
    o_ref[...] = yh.reshape(BS) + b_ref[0]


def _head(h, w, b):
    return pl.pallas_call(
        _head_body,
        grid=(BATCH // BS,),
        in_specs=[
            pl.BlockSpec(memory_space=pltpu.SMEM),
            pl.BlockSpec((1, N_HIDDEN + 2 * EMB), lambda i: (0, 0)),
            pl.BlockSpec((BS, N_HIDDEN), lambda i: (i, 0)),
        ],
        out_specs=pl.BlockSpec((BS,), lambda i: (i,)),
        out_shape=jax.ShapeDtypeStruct((BATCH,), jnp.float32),
    )(b, w, h)


def _add_body(a_ref, b_ref, o_ref):
    o_ref[...] = a_ref[...] + b_ref[...]


def _final_add(y_h, y_tm):
    return pl.pallas_call(
        _add_body,
        out_shape=jax.ShapeDtypeStruct((BATCH,), jnp.float32),
    )(y_h, y_tm)


def kernel(h, teacher_id, materia_id, teacher_emb, materia_emb, W, b):
    tid = teacher_id.astype(jnp.int32)
    mid = materia_id.astype(jnp.int32)
    score_t, score_m = _scores(W, teacher_emb.T, materia_emb.T)
    y_tm = _sc_gather_scores(score_t, score_m, tid, mid)
    y_h = _head(h, W, b)
    return _final_add(y_h, y_tm)

# --- scband reference (transcript-rebuilt; emitter-appended) ---
"""Pipeline reference for scband-regression-head-50534585205447 (READ-ONLY COPY).

The authoritative reference and input builder live on the scoring server;
editing this copy changes nothing except your own understanding.
"""

import jax, jax.numpy as jnp
import numpy as np

N_HIDDEN = 128
N_TEACHERS = 100000
N_MATERIAS = 1000
EMB_DIM = 16
BATCH = 16384


def setup_inputs(seed: int = 0) -> dict:
    key = jax.random.key(seed)
    k_h, k_t, k_m, k_te, k_me, k_w, k_b = jax.random.split(key, 7)
    h = jax.random.normal(k_h, (BATCH, N_HIDDEN), dtype=jnp.float32)
    teacher_id = jax.random.randint(k_t, (BATCH,), 0, N_TEACHERS, dtype=jnp.int64 if jax.config.jax_enable_x64 else jnp.int32)
    materia_id = jax.random.randint(k_m, (BATCH,), 0, N_MATERIAS, dtype=jnp.int64 if jax.config.jax_enable_x64 else jnp.int32)
    teacher_emb = jax.random.normal(k_te, (N_TEACHERS, EMB_DIM), dtype=jnp.float32)
    materia_emb = jax.random.normal(k_me, (N_MATERIAS, EMB_DIM), dtype=jnp.float32)
    in_dim = N_HIDDEN + 2 * EMB_DIM
    bound = 1.0 / np.sqrt(in_dim)
    W = jax.random.uniform(k_w, (1, in_dim), minval=-bound, maxval=bound, dtype=jnp.float32)
    b = jax.random.uniform(k_b, (1,), minval=-bound, maxval=bound, dtype=jnp.float32)
    return {"h": h, "teacher_id": teacher_id, "materia_id": materia_id,
            "teacher_emb": teacher_emb, "materia_emb": materia_emb, "W": W, "b": b}


def reference(h, teacher_id, materia_id, teacher_emb, materia_emb, W, b):
    t = jnp.take(teacher_emb, teacher_id, axis=0)
    m = jnp.take(materia_emb, materia_id, axis=0)
    x = jnp.concatenate([h, t, m], axis=1)
    y = x @ W.T + b
    return y.squeeze(1)

if __name__ == "__main__":
    import jax
    _d = setup_inputs()
    print(jax.jit(kernel)(*tuple(_d.values())))

</pallas_src>

<mosaic_0001>
#map = affine_map<(d0, d1) -> (0)>
module attributes {stable_mosaic.version = 14 : i64} {
  func.func @k(%arg0: i32, %arg1: i32, %arg2: memref<100352xf32, #tpu.memory_space<hbm>>, %arg3: memref<1024xf32, #tpu.memory_space<hbm>>, %arg4: memref<16384xi32, #tpu.memory_space<hbm>>, %arg5: memref<16384xi32, #tpu.memory_space<hbm>>, %arg6: memref<16384xf32, #tpu.memory_space<hbm>>, %arg7: memref<512xi32, #tpu.memory_space<vmem>>, %arg8: memref<512xi32, #tpu.memory_space<vmem>>, %arg9: memref<512xf32, #tpu.memory_space<vmem>>, %arg10: memref<1024xf32, #tpu.memory_space<vmem>>, %arg11: memref<512xf32, #tpu.memory_space<vmem>>, %arg12: memref<100352xf32, #tpu.memory_space<vmem_shared>>, %arg13: memref<!tpu.dma_semaphore, #tpu.memory_space<semaphore_mem>>) attributes {dimension_semantics = [#tpu.dimension_semantics<core_parallel>, #tpu.dimension_semantics<subcore_parallel>], iteration_bounds = array<i64: 2, 16>, scalar_prefetch = 0 : i64, scratch_operands = 7 : i64, tpu.core_type = #tpu.core_type<sc_vector_subcore>, window_params = [{transform_indices = #map}, {transform_indices = #map}, {transform_indices = #map}, {transform_indices = #map}, {transform_indices = #map}]} {
    %mul3A = arith.constant 2 : i32
    %mul3A_0 = arith.muli %arg1, %mul3A : i32
    %add3A = arith.addi %mul3A_0, %arg0 : i32
    %mul3A_1 = arith.constant 512 : i32
    %mul3A_2 = arith.muli %add3A, %mul3A_1 : i32
    %mul3A_3 = arith.constant 6272 : i32
    %mul3A_4 = arith.muli %arg1, %mul3A_3 : i32
    %mul3A_5 = arith.constant 6272 : i32
    %mul3A_6 = arith.muli %arg1, %mul3A_5 : i32
    "tpu.region"() ({
      %run_scoped3A = tpu.sem_alloc : memref<!tpu.dma_semaphore, #tpu.memory_space<semaphore_mem>>
      %dma_start3A_262 = tpu.memref_slice %arg12[%mul3A_6] : memref<100352xf32, #tpu.memory_space<vmem_shared>> -> memref<6272xf32, #tpu.memory_space<vmem_shared>>
      %dma_start3A_263 = tpu.memref_slice %arg2[%mul3A_4] : memref<100352xf32, #tpu.memory_space<hbm>> -> memref<6272xf32, #tpu.memory_space<hbm>>
      tpu.enqueue_dma source(%dma_start3A_263 : memref<6272xf32, #tpu.memory_space<hbm>>) target(%dma_start3A_262 : memref<6272xf32, #tpu.memory_space<vmem_shared>>) target_semaphore(%run_scoped3A : memref<!tpu.dma_semaphore, #tpu.memory_space<semaphore_mem>>)
      %dma_wait3A_264 = tpu.memref_slice %arg12[%mul3A_6] : memref<100352xf32, #tpu.memory_space<vmem_shared>> -> memref<6272xf32, #tpu.memory_space<vmem_shared>>
      %dma_wait3A_265 = tpu.memref_slice %arg2[%mul3A_4] : memref<100352xf32, #tpu.memory_space<hbm>> -> memref<6272xf32, #tpu.memory_space<hbm>>
      tpu.wait_dma2 semaphore(%run_scoped3A : memref<!tpu.dma_semaphore, #tpu.memory_space<semaphore_mem>>) src(%dma_wait3A_265 : memref<6272xf32, #tpu.memory_space<hbm>>) dst(%dma_wait3A_264 : memref<6272xf32, #tpu.memory_space<vmem_shared>>)
      tpu.yield
    }) : () -> ()
    "tpu.region"() ({
      %run_scoped3A = tpu.sem_alloc : memref<!tpu.dma_semaphore, #tpu.memory_space<semaphore_mem>>
      %dma_start3A_262 = tpu.memref_slice %arg4[%mul3A_2] : memref<16384xi32, #tpu.memory_space<hbm>> -> memref<512xi32, #tpu.memory_space<hbm>>
      %dma_start3A_263 = tpu.memref_slice %arg4[%mul3A_2] : memref<16384xi32, #tpu.memory_space<hbm>> -> memref<512xi32, #tpu.memory_space<hbm>>
      tpu.enqueue_dma source(%dma_start3A_263 : memref<512xi32, #tpu.memory_space<hbm>>) target(%arg7 : memref<512xi32, #tpu.memory_space<vmem>>) target_semaphore(%run_scoped3A : memref<!tpu.dma_semaphore, #tpu.memory_space<semaphore_mem>>)
      %dma_wait3A_264 = tpu.memref_slice %arg4[%mul3A_2] : memref<16384xi32, #tpu.memory_space<hbm>> -> memref<512xi32, #tpu.memory_space<hbm>>
      %dma_wait3A_265 = tpu.memref_slice %arg4[%mul3A_2] : memref<16384xi32, #tpu.memory_space<hbm>> -> memref<512xi32, #tpu.memory_space<hbm>>
      tpu.wait_dma2 semaphore(%run_scoped3A : memref<!tpu.dma_semaphore, #tpu.memory_space<semaphore_mem>>) src(%dma_wait3A_265 : memref<512xi32, #tpu.memory_space<hbm>>) dst(%arg7 : memref<512xi32, #tpu.memory_space<vmem>>)
      tpu.yield
    }) : () -> ()
    "tpu.region"() ({
      %run_scoped3A = tpu.sem_alloc : memref<!tpu.dma_semaphore, #tpu.memory_space<semaphore_mem>>
      %dma_start3A_262 = tpu.memref_slice %arg5[%mul3A_2] : memref<16384xi32, #tpu.memory_space<hbm>> -> memref<512xi32, #tpu.memory_space<hbm>>
      %dma_start3A_263 = tpu.memref_slice %arg5[%mul3A_2] : memref<16384xi32, #tpu.memory_space<hbm>> -> memref<512xi32, #tpu.memory_space<hbm>>
      tpu.enqueue_dma source(%dma_start3A_263 : memref<512xi32, #tpu.memory_space<hbm>>) target(%arg8 : memref<512xi32, #tpu.memory_space<vmem>>) target_semaphore(%run_scoped3A : memref<!tpu.dma_semaphore, #tpu.memory_space<semaphore_mem>>)
      %dma_wait3A_264 = tpu.memref_slice %arg5[%mul3A_2] : memref<16384xi32, #tpu.memory_space<hbm>> -> memref<512xi32, #tpu.memory_space<hbm>>
      %dma_wait3A_265 = tpu.memref_slice %arg5[%mul3A_2] : memref<16384xi32, #tpu.memory_space<hbm>> -> memref<512xi32, #tpu.memory_space<hbm>>
      tpu.wait_dma2 semaphore(%run_scoped3A : memref<!tpu.dma_semaphore, #tpu.memory_space<semaphore_mem>>) src(%dma_wait3A_265 : memref<512xi32, #tpu.memory_space<hbm>>) dst(%arg8 : memref<512xi32, #tpu.memory_space<vmem>>)
      tpu.yield
    }) : () -> ()
    "tpu.region"() ({
      %run_scoped3A = tpu.sem_alloc : memref<!tpu.dma_semaphore, #tpu.memory_space<semaphore_mem>>
      tpu.enqueue_dma source(%arg3 : memref<1024xf32, #tpu.memory_space<hbm>>) target(%arg10 : memref<1024xf32, #tpu.memory_space<vmem>>) target_semaphore(%run_scoped3A : memref<!tpu.dma_semaphore, #tpu.memory_space<semaphore_mem>>)
      tpu.wait_dma2 semaphore(%run_scoped3A : memref<!tpu.dma_semaphore, #tpu.memory_space<semaphore_mem>>) src(%arg3 : memref<1024xf32, #tpu.memory_space<hbm>>) dst(%arg10 : memref<1024xf32, #tpu.memory_space<vmem>>)
      tpu.yield
    }) : () -> ()
    %barrier3A = arith.constant 0 : index
    tpu.barrier barrier_id(%barrier3A)
    %dma_start3A = arith.constant 0 : i32
    %dma_start3A_7 = tpu.memref_slice %arg12[%dma_start3A] : memref<100352xf32, #tpu.memory_space<vmem_shared>> -> memref<100352xf32, #tpu.memory_space<vmem_shared>>
    tpu.enqueue_indirect_dma source(%dma_start3A_7 : memref<100352xf32, #tpu.memory_space<vmem_shared>>) target(%arg9 : memref<512xf32, #tpu.memory_space<vmem>>) offsets(%arg7 : memref<512xi32, #tpu.memory_space<vmem>>) semaphore(%arg13 : memref<!tpu.dma_semaphore, #tpu.memory_space<semaphore_mem>>)
    %dma_wait3A = arith.constant 0 : i32
    %dma_wait3A_8 = tpu.memref_slice %arg12[%dma_wait3A] : memref<100352xf32, #tpu.memory_space<vmem_shared>> -> memref<100352xf32, #tpu.memory_space<vmem_shared>>
    tpu.wait_indirect_dma semaphore(%arg13 : memref<!tpu.dma_semaphore, #tpu.memory_space<semaphore_mem>>) src(%dma_wait3A_8 : memref<100352xf32, #tpu.memory_space<vmem_shared>>) dst(%arg9 : memref<512xf32, #tpu.memory_space<vmem>>)
    %get3A = arith.constant 0 : index
    %get3A_9 = tpu.vector_load %arg8[%get3A] {strides = array<i32>} : memref<512xi32, #tpu.memory_space<vmem>>, vector<16xi32>,
    %gather3A = tpu.vector_load_idx %arg10[%get3A_9] : memref<1024xf32, #tpu.memory_space<vmem>>[vector<16xi32>], vector<16xf32>,
    %get3A_10 = arith.constant 0 : index
    %get3A_11 = tpu.vector_load %arg9[%get3A_10] {strides = array<i32>} : memref<512xf32, #tpu.memory_space<vmem>>, vector<16xf32>,
    %add3A_12 = arith.addf %get3A_11, %gather3A : vector<16xf32>
    %swap3A = arith.constant 0 : index
    %swap3A_13 = tpu.vector_load %arg11[%swap3A] {strides = array<i32>} : memref<512xf32, #tpu.memory_space<vmem>>, vector<16xf32>,
    tpu.vector_store %arg11[%swap3A], %add3A_12 {strides = array<i32>} : memref<512xf32, #tpu.memory_space<vmem>>, vector<16xf32>,
    %get3A_14 = arith.constant 16 : index
    %get3A_15 = tpu.vector_load %arg8[%get3A_14] {strides = array<i32>} : memref<512xi32, #tpu.memory_space<vmem>>, vector<16xi32>,
    %gather3A_16 = tpu.vector_load_idx %arg10[%get3A_15] : memref<1024xf32, #tpu.memory_space<vmem>>[vector<16xi32>], vector<16xf32>,
    %get3A_17 = arith.constant 16 : index
    %get3A_18 = tpu.vector_load %arg9[%get3A_17] {strides = array<i32>} : memref<512xf32, #tpu.memory_space<vmem>>, vector<16xf32>,
    %add3A_19 = arith.addf %get3A_18, %gather3A_16 : vector<16xf32>
    %swap3A_20 = arith.constant 16 : index
    %swap3A_21 = tpu.vector_load %arg11[%swap3A_20] {strides = array<i32>} : memref<512xf32, #tpu.memory_space<vmem>>, vector<16xf32>,
    tpu.vector_store %arg11[%swap3A_20], %add3A_19 {strides = array<i32>} : memref<512xf32, #tpu.memory_space<vmem>>, vector<16xf32>,
    %get3A_22 = arith.constant 32 : index
    %get3A_23 = tpu.vector_load %arg8[%get3A_22] {strides = array<i32>} : memref<512xi32, #tpu.memory_space<vmem>>, vector<16xi32>,
    %gather3A_24 = tpu.vector_load_idx %arg10[%get3A_23] : memref<1024xf32, #tpu.memory_space<vmem>>[vector<16xi32>], vector<16xf32>,
    %get3A_25 = arith.constant 32 : index
    %get3A_26 = tpu.vector_load %arg9[%get3A_25] {strides = array<i32>} : memref<512xf32, #tpu.memory_space<vmem>>, vector<16xf32>,
    %add3A_27 = arith.addf %get3A_26, %gather3A_24 : vector<16xf32>
    %swap3A_28 = arith.constant 32 : index
    %swap3A_29 = tpu.vector_load %arg11[%swap3A_28] {strides = array<i32>} : memref<512xf32, #tpu.memory_space<vmem>>, vector<16xf32>,
    tpu.vector_store %arg11[%swap3A_28], %add3A_27 {strides = array<i32>} : memref<512xf32, #tpu.memory_space<vmem>>, vector<16xf32>,
    %get3A_30 = arith.constant 48 : index
    %get3A_31 = tpu.vector_load %arg8[%get3A_30] {strides = array<i32>} : memref<512xi32, #tpu.memory_space<vmem>>, vector<16xi32>,
    %gather3A_32 = tpu.vector_load_idx %arg10[%get3A_31] : memref<1024xf32, #tpu.memory_space<vmem>>[vector<16xi32>], vector<16xf32>,
    %get3A_33 = arith.constant 48 : index
    %get3A_34 = tpu.vector_load %arg9[%get3A_33] {strides = array<i32>} : memref<512xf32, #tpu.memory_space<vmem>>, vector<16xf32>,
    %add3A_35 = arith.addf %get3A_34, %gather3A_32 : vector<16xf32>
    %swap3A_36 = arith.constant 48 : index
    %swap3A_37 = tpu.vector_load %arg11[%swap3A_36] {strides = array<i32>} : memref<512xf32, #tpu.memory_space<vmem>>, vector<16xf32>,
    tpu.vector_store %arg11[%swap3A_36], %add3A_35 {strides = array<i32>} : memref<512xf32, #tpu.memory_space<vmem>>, vector<16xf32>,
    %get3A_38 = arith.constant 64 : index
    %get3A_39 = tpu.vector_load %arg8[%get3A_38] {strides = array<i32>} : memref<512xi32, #tpu.memory_space<vmem>>, vector<16xi32>,
    %gather3A_40 = tpu.vector_load_idx %arg10[%get3A_39] : memref<1024xf32, #tpu.memory_space<vmem>>[vector<16xi32>], vector<16xf32>,
    %get3A_41 = arith.constant 64 : index
    %get3A_42 = tpu.vector_load %arg9[%get3A_41] {strides = array<i32>} : memref<512xf32, #tpu.memory_space<vmem>>, vector<16xf32>,
    %add3A_43 = arith.addf %get3A_42, %gather3A_40 : vector<16xf32>
    %swap3A_44 = arith.constant 64 : index
    %swap3A_45 = tpu.vector_load %arg11[%swap3A_44] {strides = array<i32>} : memref<512xf32, #tpu.memory_space<vmem>>, vector<16xf32>,
    tpu.vector_store %arg11[%swap3A_44], %add3A_43 {strides = array<i32>} : memref<512xf32, #tpu.memory_space<vmem>>, vector<16xf32>,
    %get3A_46 = arith.constant 80 : index
    %get3A_47 = tpu.vector_load %arg8[%get3A_46] {strides = array<i32>} : memref<512xi32, #tpu.memory_space<vmem>>, vector<16xi32>,
    %gather3A_48 = tpu.vector_load_idx %arg10[%get3A_47] : memref<1024xf32, #tpu.memory_space<vmem>>[vector<16xi32>], vector<16xf32>,
    %get3A_49 = arith.constant 80 : index
    %get3A_50 = tpu.vector_load %arg9[%get3A_49] {strides = array<i32>} : memref<512xf32, #tpu.memory_space<vmem>>, vector<16xf32>,
    %add3A_51 = arith.addf %get3A_50, %gather3A_48 : vector<16xf32>
    %swap3A_52 = arith.constant 80 : index
    %swap3A_53 = tpu.vector_load %arg11[%swap3A_52] {strides = array<i32>} : memref<512xf32, #tpu.memory_space<vmem>>, vector<16xf32>,
    tpu.vector_store %arg11[%swap3A_52], %add3A_51 {strides = array<i32>} : memref<512xf32, #tpu.memory_space<vmem>>, vector<16xf32>,
    %get3A_54 = arith.constant 96 : index
    %get3A_55 = tpu.vector_load %arg8[%get3A_54] {strides = array<i32>} : memref<512xi32, #tpu.memory_space<vmem>>, vector<16xi32>,
    %gather3A_56 = tpu.vector_load_idx %arg10[%get3A_55] : memref<1024xf32, #tpu.memory_space<vmem>>[vector<16xi32>], vector<16xf32>,
    %get3A_57 = arith.constant 96 : index
    %get3A_58 = tpu.vector_load %arg9[%get3A_57] {strides = array<i32>} : memref<512xf32, #tpu.memory_space<vmem>>, vector<16xf32>,
    %add3A_59 = arith.addf %get3A_58, %gather3A_56 : vector<16xf32>
    %swap3A_60 = arith.constant 96 : index
    %swap3A_61 = tpu.vector_load %arg11[%swap3A_60] {strides = array<i32>} : memref<512xf32, #tpu.memory_space<vmem>>, vector<16xf32>,
    tpu.vector_store %arg11[%swap3A_60], %add3A_59 {strides = array<i32>} : memref<512xf32, #tpu.memory_space<vmem>>, vector<16xf32>,
    %get3A_62 = arith.constant 112 : index
    %get3A_63 = tpu.vector_load %arg8[%get3A_62] {strides = array<i32>} : memref<512xi32, #tpu.memory_space<vmem>>, vector<16xi32>,
    %gather3A_64 = tpu.vector_load_idx %arg10[%get3A_63] : memref<1024xf32, #tpu.memory_space<vmem>>[vector<16xi32>], vector<16xf32>,
    %get3A_65 = arith.constant 112 : index
    %get3A_66 = tpu.vector_load %arg9[%get3A_65] {strides = array<i32>} : memref<512xf32, #tpu.memory_space<vmem>>, vector<16xf32>,
    %add3A_67 = arith.addf %get3A_66, %gather3A_64 : vector<16xf32>
    %swap3A_68 = arith.constant 112 : index
    %swap3A_69 = tpu.vector_load %arg11[%swap3A_68] {strides = array<i32>} : memref<512xf32, #tpu.memory_space<vmem>>, vector<16xf32>,
    tpu.vector_store %arg11[%swap3A_68], %add3A_67 {strides = array<i32>} : memref<512xf32, #tpu.memory_space<vmem>>, vector<16xf32>,
    %get3A_70 = arith.constant 128 : index
    %get3A_71 = tpu.vector_load %arg8[%get3A_70] {strides = array<i32>} : memref<512xi32, #tpu.memory_space<vmem>>, vector<16xi32>,
    %gather3A_72 = tpu.vector_load_idx %arg10[%get3A_71] : memref<1024xf32, #tpu.memory_space<vmem>>[vector<16xi32>], vector<16xf32>,
    %get3A_73 = arith.constant 128 : index
    %get3A_74 = tpu.vector_load %arg9[%get3A_73] {strides = array<i32>} : memref<512xf32, #tpu.memory_space<vmem>>, vector<16xf32>,
    %add3A_75 = arith.addf %get3A_74, %gather3A_72 : vector<16xf32>
    %swap3A_76 = arith.constant 128 : index
    %swap3A_77 = tpu.vector_load %arg11[%swap3A_76] {strides = array<i32>} : memref<512xf32, #tpu.memory_space<vmem>>, vector<16xf32>,
    tpu.vector_store %arg11[%swap3A_76], %add3A_75 {strides = array<i32>} : memref<512xf32, #tpu.memory_space<vmem>>, vector<16xf32>,
    %get3A_78 = arith.constant 144 : index
    %get3A_79 = tpu.vector_load %arg8[%get3A_78] {strides = array<i32>} : memref<512xi32, #tpu.memory_space<vmem>>, vector<16xi32>,
    %gather3A_80 = tpu.vector_load_idx %arg10[%get3A_79] : memref<1024xf32, #tpu.memory_space<vmem>>[vector<16xi32>], vector<16xf32>,
    %get3A_81 = arith.constant 144 : index
    %get3A_82 = tpu.vector_load %arg9[%get3A_81] {strides = array<i32>} : memref<512xf32, #tpu.memory_space<vmem>>, vector<16xf32>,
    %add3A_83 = arith.addf %get3A_82, %gather3A_80 : vector<16xf32>
    %swap3A_84 = arith.constant 144 : index
    %swap3A_85 = tpu.vector_load %arg11[%swap3A_84] {strides = array<i32>} : memref<512xf32, #tpu.memory_space<vmem>>, vector<16xf32>,
    tpu.vector_store %arg11[%swap3A_84], %add3A_83 {strides = array<i32>} : memref<512xf32, #tpu.memory_space<vmem>>, vector<16xf32>,
    %get3A_86 = arith.constant 160 : index
    %get3A_87 = tpu.vector_load %arg8[%get3A_86] {strides = array<i32>} : memref<512xi32, #tpu.memory_space<vmem>>, vector<16xi32>,
    %gather3A_88 = tpu.vector_load_idx %arg10[%get3A_87] : memref<1024xf32, #tpu.memory_space<vmem>>[vector<16xi32>], vector<16xf32>,
    %get3A_89 = arith.constant 160 : index
    %get3A_90 = tpu.vector_load %arg9[%get3A_89] {strides = array<i32>} : memref<512xf32, #tpu.memory_space<vmem>>, vector<16xf32>,
    %add3A_91 = arith.addf %get3A_90, %gather3A_88 : vector<16xf32>
    %swap3A_92 = arith.constant 160 : index
    %swap3A_93 = tpu.vector_load %arg11[%swap3A_92] {strides = array<i32>} : memref<512xf32, #tpu.memory_space<vmem>>, vector<16xf32>,
    tpu.vector_store %arg11[%swap3A_92], %add3A_91 {strides = array<i32>} : memref<512xf32, #tpu.memory_space<vmem>>, vector<16xf32>,
    %get3A_94 = arith.constant 176 : index
    %get3A_95 = tpu.vector_load %arg8[%get3A_94] {strides = array<i32>} : memref<512xi32, #tpu.memory_space<vmem>>, vector<16xi32>,
    %gather3A_96 = tpu.vector_load_idx %arg10[%get3A_95] : memref<1024xf32, #tpu.memory_space<vmem>>[vector<16xi32>], vector<16xf32>,
    %get3A_97 = arith.constant 176 : index
    %get3A_98 = tpu.vector_load %arg9[%get3A_97] {strides = array<i32>} : memref<512xf32, #tpu.memory_space<vmem>>, vector<16xf32>,
    %add3A_99 = arith.addf %get3A_98, %gather3A_96 : vector<16xf32>
    %swap3A_100 = arith.constant 176 : index
    %swap3A_101 = tpu.vector_load %arg11[%swap3A_100] {strides = array<i32>} : memref<512xf32, #tpu.memory_space<vmem>>, vector<16xf32>,
    tpu.vector_store %arg11[%swap3A_100], %add3A_99 {strides = array<i32>} : memref<512xf32, #tpu.memory_space<vmem>>, vector<16xf32>,
    %get3A_102 = arith.constant 192 : index
    %get3A_103 = tpu.vector_load %arg8[%get3A_102] {strides = array<i32>} : memref<512xi32, #tpu.memory_space<vmem>>, vector<16xi32>,
    %gather3A_104 = tpu.vector_load_idx %arg10[%get3A_103] : memref<1024xf32, #tpu.memory_space<vmem>>[vector<16xi32>], vector<16xf32>,
    %get3A_105 = arith.constant 192 : index
    %get3A_106 = tpu.vector_load %arg9[%get3A_105] {strides = array<i32>} : memref<512xf32, #tpu.memory_space<vmem>>, vector<16xf32>,
    %add3A_107 = arith.addf %get3A_106, %gather3A_104 : vector<16xf32>
    %swap3A_108 = arith.constant 192 : index
    %swap3A_109 = tpu.vector_load %arg11[%swap3A_108] {strides = array<i32>} : memref<512xf32, #tpu.memory_space<vmem>>, vector<16xf32>,
    tpu.vector_store %arg11[%swap3A_108], %add3A_107 {strides = array<i32>} : memref<512xf32, #tpu.memory_space<vmem>>, vector<16xf32>,
    %get3A_110 = arith.constant 208 : index
    %get3A_111 = tpu.vector_load %arg8[%get3A_110] {strides = array<i32>} : memref<512xi32, #tpu.memory_space<vmem>>, vector<16xi32>,
    %gather3A_112 = tpu.vector_load_idx %arg10[%get3A_111] : memref<1024xf32, #tpu.memory_space<vmem>>[vector<16xi32>], vector<16xf32>,
    %get3A_113 = arith.constant 208 : index
    %get3A_114 = tpu.vector_load %arg9[%get3A_113] {strides = array<i32>} : memref<512xf32, #tpu.memory_space<vmem>>, vector<16xf32>,
    %add3A_115 = arith.addf %get3A_114, %gather3A_112 : vector<16xf32>
    %swap3A_116 = arith.constant 208 : index
    %swap3A_117 = tpu.vector_load %arg11[%swap3A_116] {strides = array<i32>} : memref<512xf32, #tpu.memory_space<vmem>>, vector<16xf32>,
    tpu.vector_store %arg11[%swap3A_116], %add3A_115 {strides = array<i32>} : memref<512xf32, #tpu.memory_space<vmem>>, vector<16xf32>,
    %get3A_118 = arith.constant 224 : index
    %get3A_119 = tpu.vector_load %arg8[%get3A_118] {strides = array<i32>} : memref<512xi32, #tpu.memory_space<vmem>>, vector<16xi32>,
    %gather3A_120 = tpu.vector_load_idx %arg10[%get3A_119] : memref<1024xf32, #tpu.memory_space<vmem>>[vector<16xi32>], vector<16xf32>,
    %get3A_121 = arith.constant 224 : index
    %get3A_122 = tpu.vector_load %arg9[%get3A_121] {strides = array<i32>} : memref<512xf32, #tpu.memory_space<vmem>>, vector<16xf32>,
    %add3A_123 = arith.addf %get3A_122, %gather3A_120 : vector<16xf32>
    %swap3A_124 = arith.constant 224 : index
    %swap3A_125 = tpu.vector_load %arg11[%swap3A_124] {strides = array<i32>} : memref<512xf32, #tpu.memory_space<vmem>>, vector<16xf32>,
    tpu.vector_store %arg11[%swap3A_124], %add3A_123 {strides = array<i32>} : memref<512xf32, #tpu.memory_space<vmem>>, vector<16xf32>,
    %get3A_126 = arith.constant 240 : index
    %get3A_127 = tpu.vector_load %arg8[%get3A_126] {strides = array<i32>} : memref<512xi32, #tpu.memory_space<vmem>>, vector<16xi32>,
    %gather3A_128 = tpu.vector_load_idx %arg10[%get3A_127] : memref<1024xf32, #tpu.memory_space<vmem>>[vector<16xi32>], vector<16xf32>,
    %get3A_129 = arith.constant 240 : index
    %get3A_130 = tpu.vector_load %arg9[%get3A_129] {strides = array<i32>} : memref<512xf32, #tpu.memory_space<vmem>>, vector<16xf32>,
    %add3A_131 = arith.addf %get3A_130, %gather3A_128 : vector<16xf32>
    %swap3A_132 = arith.constant 240 : index
    %swap3A_133 = tpu.vector_load %arg11[%swap3A_132] {strides = array<i32>} : memref<512xf32, #tpu.memory_space<vmem>>, vector<16xf32>,
    tpu.vector_store %arg11[%swap3A_132], %add3A_131 {strides = array<i32>} : memref<512xf32, #tpu.memory_space<vmem>>, vector<16xf32>,
    %get3A_134 = arith.constant 256 : index
    %get3A_135 = tpu.vector_load %arg8[%get3A_134] {strides = array<i32>} : memref<512xi32, #tpu.memory_space<vmem>>, vector<16xi32>,
    %gather3A_136 = tpu.vector_load_idx %arg10[%get3A_135] : memref<1024xf32, #tpu.memory_space<vmem>>[vector<16xi32>], vector<16xf32>,
    %get3A_137 = arith.constant 256 : index
    %get3A_138 = tpu.vector_load %arg9[%get3A_137] {strides = array<i32>} : memref<512xf32, #tpu.memory_space<vmem>>, vector<16xf32>,
    %add3A_139 = arith.addf %get3A_138, %gather3A_136 : vector<16xf32>
    %swap3A_140 = arith.constant 256 : index
    %swap3A_141 = tpu.vector_load %arg11[%swap3A_140] {strides = array<i32>} : memref<512xf32, #tpu.memory_space<vmem>>, vector<16xf32>,
    tpu.vector_store %arg11[%swap3A_140], %add3A_139 {strides = array<i32>} : memref<512xf32, #tpu.memory_space<vmem>>, vector<16xf32>,
    %get3A_142 = arith.constant 272 : index
    %get3A_143 = tpu.vector_load %arg8[%get3A_142] {strides = array<i32>} : memref<512xi32, #tpu.memory_space<vmem>>, vector<16xi32>,
    %gather3A_144 = tpu.vector_load_idx %arg10[%get3A_143] : memref<1024xf32, #tpu.memory_space<vmem>>[vector<16xi32>], vector<16xf32>,
    %get3A_145 = arith.constant 272 : index
    %get3A_146 = tpu.vector_load %arg9[%get3A_145] {strides = array<i32>} : memref<512xf32, #tpu.memory_space<vmem>>, vector<16xf32>,
    %add3A_147 = arith.addf %get3A_146, %gather3A_144 : vector<16xf32>
    %swap3A_148 = arith.constant 272 : index
    %swap3A_149 = tpu.vector_load %arg11[%swap3A_148] {strides = array<i32>} : memref<512xf32, #tpu.memory_space<vmem>>, vector<16xf32>,
    tpu.vector_store %arg11[%swap3A_148], %add3A_147 {strides = array<i32>} : memref<512xf32, #tpu.memory_space<vmem>>, vector<16xf32>,
    %get3A_150 = arith.constant 288 : index
    %get3A_151 = tpu.vector_load %arg8[%get3A_150] {strides = array<i32>} : memref<512xi32, #tpu.memory_space<vmem>>, vector<16xi32>,
    %gather3A_152 = tpu.vector_load_idx %arg10[%get3A_151] : memref<1024xf32, #tpu.memory_space<vmem>>[vector<16xi32>], vector<16xf32>,
    %get3A_153 = arith.constant 288 : index
    %get3A_154 = tpu.vector_load %arg9[%get3A_153] {strides = array<i32>} : memref<512xf32, #tpu.memory_space<vmem>>, vector<16xf32>,
    %add3A_155 = arith.addf %get3A_154, %gather3A_152 : vector<16xf32>
    %swap3A_156 = arith.constant 288 : index
    %swap3A_157 = tpu.vector_load %arg11[%swap3A_156] {strides = array<i32>} : memref<512xf32, #tpu.memory_space<vmem>>, vector<16xf32>,
    tpu.vector_store %arg11[%swap3A_156], %add3A_155 {strides = array<i32>} : memref<512xf32, #tpu.memory_space<vmem>>, vector<16xf32>,
    %get3A_158 = arith.constant 304 : index
    %get3A_159 = tpu.vector_load %arg8[%get3A_158] {strides = array<i32>} : memref<512xi32, #tpu.memory_space<vmem>>, vector<16xi32>,
    %gather3A_160 = tpu.vector_load_idx %arg10[%get3A_159] : memref<1024xf32, #tpu.memory_space<vmem>>[vector<16xi32>], vector<16xf32>,
    %get3A_161 = arith.constant 304 : index
    %get3A_162 = tpu.vector_load %arg9[%get3A_161] {strides = array<i32>} : memref<512xf32, #tpu.memory_space<vmem>>, vector<16xf32>,
    %add3A_163 = arith.addf %get3A_162, %gather3A_160 : vector<16xf32>
    %swap3A_164 = arith.constant 304 : index
    %swap3A_165 = tpu.vector_load %arg11[%swap3A_164] {strides = array<i32>} : memref<512xf32, #tpu.memory_space<vmem>>, vector<16xf32>,
    tpu.vector_store %arg11[%swap3A_164], %add3A_163 {strides = array<i32>} : memref<512xf32, #tpu.memory_space<vmem>>, vector<16xf32>,
    %get3A_166 = arith.constant 320 : index
    %get3A_167 = tpu.vector_load %arg8[%get3A_166] {strides = array<i32>} : memref<512xi32, #tpu.memory_space<vmem>>, vector<16xi32>,
    %gather3A_168 = tpu.vector_load_idx %arg10[%get3A_167] : memref<1024xf32, #tpu.memory_space<vmem>>[vector<16xi32>], vector<16xf32>,
    %get3A_169 = arith.constant 320 : index
    %get3A_170 = tpu.vector_load %arg9[%get3A_169] {strides = array<i32>} : memref<512xf32, #tpu.memory_space<vmem>>, vector<16xf32>,
    %add3A_171 = arith.addf %get3A_170, %gather3A_168 : vector<16xf32>
    %swap3A_172 = arith.constant 320 : index
    %swap3A_173 = tpu.vector_load %arg11[%swap3A_172] {strides = array<i32>} : memref<512xf32, #tpu.memory_space<vmem>>, vector<16xf32>,
    tpu.vector_store %arg11[%swap3A_172], %add3A_171 {strides = array<i32>} : memref<512xf32, #tpu.memory_space<vmem>>, vector<16xf32>,
    %get3A_174 = arith.constant 336 : index
    %get3A_175 = tpu.vector_load %arg8[%get3A_174] {strides = array<i32>} : memref<512xi32, #tpu.memory_space<vmem>>, vector<16xi32>,
    %gather3A_176 = tpu.vector_load_idx %arg10[%get3A_175] : memref<1024xf32, #tpu.memory_space<vmem>>[vector<16xi32>], vector<16xf32>,
    %get3A_177 = arith.constant 336 : index
    %get3A_178 = tpu.vector_load %arg9[%get3A_177] {strides = array<i32>} : memref<512xf32, #tpu.memory_space<vmem>>, vector<16xf32>,
    %add3A_179 = arith.addf %get3A_178, %gather3A_176 : vector<16xf32>
    %swap3A_180 = arith.constant 336 : index
    %swap3A_181 = tpu.vector_load %arg11[%swap3A_180] {strides = array<i32>} : memref<512xf32, #tpu.memory_space<vmem>>, vector<16xf32>,
    tpu.vector_store %arg11[%swap3A_180], %add3A_179 {strides = array<i32>} : memref<512xf32, #tpu.memory_space<vmem>>, vector<16xf32>,
    %get3A_182 = arith.constant 352 : index
    %get3A_183 = tpu.vector_load %arg8[%get3A_182] {strides = array<i32>} : memref<512xi32, #tpu.memory_space<vmem>>, vector<16xi32>,
    %gather3A_184 = tpu.vector_load_idx %arg10[%get3A_183] : memref<1024xf32, #tpu.memory_space<vmem>>[vector<16xi32>], vector<16xf32>,
    %get3A_185 = arith.constant 352 : index
    %get3A_186 = tpu.vector_load %arg9[%get3A_185] {strides = array<i32>} : memref<512xf32, #tpu.memory_space<vmem>>, vector<16xf32>,
    %add3A_187 = arith.addf %get3A_186, %gather3A_184 : vector<16xf32>
    %swap3A_188 = arith.constant 352 : index
    %swap3A_189 = tpu.vector_load %arg11[%swap3A_188] {strides = array<i32>} : memref<512xf32, #tpu.memory_space<vmem>>, vector<16xf32>,
    tpu.vector_store %arg11[%swap3A_188], %add3A_187 {strides = array<i32>} : memref<512xf32, #tpu.memory_space<vmem>>, vector<16xf32>,
    %get3A_190 = arith.constant 368 : index
    %get3A_191 = tpu.vector_load %arg8[%get3A_190] {strides = array<i32>} : memref<512xi32, #tpu.memory_space<vmem>>, vector<16xi32>,
    %gather3A_192 = tpu.vector_load_idx %arg10[%get3A_191] : memref<1024xf32, #tpu.memory_space<vmem>>[vector<16xi32>], vector<16xf32>,
    %get3A_193 = arith.constant 368 : index
    %get3A_194 = tpu.vector_load %arg9[%get3A_193] {strides = array<i32>} : memref<512xf32, #tpu.memory_space<vmem>>, vector<16xf32>,
    %add3A_195 = arith.addf %get3A_194, %gather3A_192 : vector<16xf32>
    %swap3A_196 = arith.constant 368 : index
    %swap3A_197 = tpu.vector_load %arg11[%swap3A_196] {strides = array<i32>} : memref<512xf32, #tpu.memory_space<vmem>>, vector<16xf32>,
    tpu.vector_store %arg11[%swap3A_196], %add3A_195 {strides = array<i32>} : memref<512xf32, #tpu.memory_space<vmem>>, vector<16xf32>,
    %get3A_198 = arith.constant 384 : index
    %get3A_199 = tpu.vector_load %arg8[%get3A_198] {strides = array<i32>} : memref<512xi32, #tpu.memory_space<vmem>>, vector<16xi32>,
    %gather3A_200 = tpu.vector_load_idx %arg10[%get3A_199] : memref<1024xf32, #tpu.memory_space<vmem>>[vector<16xi32>], vector<16xf32>,
    %get3A_201 = arith.constant 384 : index
    %get3A_202 = tpu.vector_load %arg9[%get3A_201] {strides = array<i32>} : memref<512xf32, #tpu.memory_space<vmem>>, vector<16xf32>,
    %add3A_203 = arith.addf %get3A_202, %gather3A_200 : vector<16xf32>
    %swap3A_204 = arith.constant 384 : index
    %swap3A_205 = tpu.vector_load %arg11[%swap3A_204] {strides = array<i32>} : memref<512xf32, #tpu.memory_space<vmem>>, vector<16xf32>,
    tpu.vector_store %arg11[%swap3A_204], %add3A_203 {strides = array<i32>} : memref<512xf32, #tpu.memory_space<vmem>>, vector<16xf32>,
    %get3A_206 = arith.constant 400 : index
    %get3A_207 = tpu.vector_load %arg8[%get3A_206] {strides = array<i32>} : memref<512xi32, #tpu.memory_space<vmem>>, vector<16xi32>,
    %gather3A_208 = tpu.vector_load_idx %arg10[%get3A_207] : memref<1024xf32, #tpu.memory_space<vmem>>[vector<16xi32>], vector<16xf32>,
    %get3A_209 = arith.constant 400 : index
    %get3A_210 = tpu.vector_load %arg9[%get3A_209] {strides = array<i32>} : memref<512xf32, #tpu.memory_space<vmem>>, vector<16xf32>,
    %add3A_211 = arith.addf %get3A_210, %gather3A_208 : vector<16xf32>
    %swap3A_212 = arith.constant 400 : index
    %swap3A_213 = tpu.vector_load %arg11[%swap3A_212] {strides = array<i32>} : memref<512xf32, #tpu.memory_space<vmem>>, vector<16xf32>,
    tpu.vector_store %arg11[%swap3A_212], %add3A_211 {strides = array<i32>} : memref<512xf32, #tpu.memory_space<vmem>>, vector<16xf32>,
    %get3A_214 = arith.constant 416 : index
    %get3A_215 = tpu.vector_load %arg8[%get3A_214] {strides = array<i32>} : memref<512xi32, #tpu.memory_space<vmem>>, vector<16xi32>,
    %gather3A_216 = tpu.vector_load_idx %arg10[%get3A_215] : memref<1024xf32, #tpu.memory_space<vmem>>[vector<16xi32>], vector<16xf32>,
    %get3A_217 = arith.constant 416 : index
    %get3A_218 = tpu.vector_load %arg9[%get3A_217] {strides = array<i32>} : memref<512xf32, #tpu.memory_space<vmem>>, vector<16xf32>,
    %add3A_219 = arith.addf %get3A_218, %gather3A_216 : vector<16xf32>
    %swap3A_220 = arith.constant 416 : index
    %swap3A_221 = tpu.vector_load %arg11[%swap3A_220] {strides = array<i32>} : memref<512xf32, #tpu.memory_space<vmem>>, vector<16xf32>,
    tpu.vector_store %arg11[%swap3A_220], %add3A_219 {strides = array<i32>} : memref<512xf32, #tpu.memory_space<vmem>>, vector<16xf32>,
    %get3A_222 = arith.constant 432 : index
    %get3A_223 = tpu.vector_load %arg8[%get3A_222] {strides = array<i32>} : memref<512xi32, #tpu.memory_space<vmem>>, vector<16xi32>,
    %gather3A_224 = tpu.vector_load_idx %arg10[%get3A_223] : memref<1024xf32, #tpu.memory_space<vmem>>[vector<16xi32>], vector<16xf32>,
    %get3A_225 = arith.constant 432 : index
    %get3A_226 = tpu.vector_load %arg9[%get3A_225] {strides = array<i32>} : memref<512xf32, #tpu.memory_space<vmem>>, vector<16xf32>,
    %add3A_227 = arith.addf %get3A_226, %gather3A_224 : vector<16xf32>
    %swap3A_228 = arith.constant 432 : index
    %swap3A_229 = tpu.vector_load %arg11[%swap3A_228] {strides = array<i32>} : memref<512xf32, #tpu.memory_space<vmem>>, vector<16xf32>,
    tpu.vector_store %arg11[%swap3A_228], %add3A_227 {strides = array<i32>} : memref<512xf32, #tpu.memory_space<vmem>>, vector<16xf32>,
    %get3A_230 = arith.constant 448 : index
    %get3A_231 = tpu.vector_load %arg8[%get3A_230] {strides = array<i32>} : memref<512xi32, #tpu.memory_space<vmem>>, vector<16xi32>,
    %gather3A_232 = tpu.vector_load_idx %arg10[%get3A_231] : memref<1024xf32, #tpu.memory_space<vmem>>[vector<16xi32>], vector<16xf32>,
    %get3A_233 = arith.constant 448 : index
    %get3A_234 = tpu.vector_load %arg9[%get3A_233] {strides = array<i32>} : memref<512xf32, #tpu.memory_space<vmem>>, vector<16xf32>,
    %add3A_235 = arith.addf %get3A_234, %gather3A_232 : vector<16xf32>
    %swap3A_236 = arith.constant 448 : index
    %swap3A_237 = tpu.vector_load %arg11[%swap3A_236] {strides = array<i32>} : memref<512xf32, #tpu.memory_space<vmem>>, vector<16xf32>,
    tpu.vector_store %arg11[%swap3A_236], %add3A_235 {strides = array<i32>} : memref<512xf32, #tpu.memory_space<vmem>>, vector<16xf32>,
    %get3A_238 = arith.constant 464 : index
    %get3A_239 = tpu.vector_load %arg8[%get3A_238] {strides = array<i32>} : memref<512xi32, #tpu.memory_space<vmem>>, vector<16xi32>,
    %gather3A_240 = tpu.vector_load_idx %arg10[%get3A_239] : memref<1024xf32, #tpu.memory_space<vmem>>[vector<16xi32>], vector<16xf32>,
    %get3A_241 = arith.constant 464 : index
    %get3A_242 = tpu.vector_load %arg9[%get3A_241] {strides = array<i32>} : memref<512xf32, #tpu.memory_space<vmem>>, vector<16xf32>,
    %add3A_243 = arith.addf %get3A_242, %gather3A_240 : vector<16xf32>
    %swap3A_244 = arith.constant 464 : index
    %swap3A_245 = tpu.vector_load %arg11[%swap3A_244] {strides = array<i32>} : memref<512xf32, #tpu.memory_space<vmem>>, vector<16xf32>,
    tpu.vector_store %arg11[%swap3A_244], %add3A_243 {strides = array<i32>} : memref<512xf32, #tpu.memory_space<vmem>>, vector<16xf32>,
    %get3A_246 = arith.constant 480 : index
    %get3A_247 = tpu.vector_load %arg8[%get3A_246] {strides = array<i32>} : memref<512xi32, #tpu.memory_space<vmem>>, vector<16xi32>,
    %gather3A_248 = tpu.vector_load_idx %arg10[%get3A_247] : memref<1024xf32, #tpu.memory_space<vmem>>[vector<16xi32>], vector<16xf32>,
    %get3A_249 = arith.constant 480 : index
    %get3A_250 = tpu.vector_load %arg9[%get3A_249] {strides = array<i32>} : memref<512xf32, #tpu.memory_space<vmem>>, vector<16xf32>,
    %add3A_251 = arith.addf %get3A_250, %gather3A_248 : vector<16xf32>
    %swap3A_252 = arith.constant 480 : index
    %swap3A_253 = tpu.vector_load %arg11[%swap3A_252] {strides = array<i32>} : memref<512xf32, #tpu.memory_space<vmem>>, vector<16xf32>,
    tpu.vector_store %arg11[%swap3A_252], %add3A_251 {strides = array<i32>} : memref<512xf32, #tpu.memory_space<vmem>>, vector<16xf32>,
    %get3A_254 = arith.constant 496 : index
    %get3A_255 = tpu.vector_load %arg8[%get3A_254] {strides = array<i32>} : memref<512xi32, #tpu.memory_space<vmem>>, vector<16xi32>,
    %gather3A_256 = tpu.vector_load_idx %arg10[%get3A_255] : memref<1024xf32, #tpu.memory_space<vmem>>[vector<16xi32>], vector<16xf32>,
    %get3A_257 = arith.constant 496 : index
    %get3A_258 = tpu.vector_load %arg9[%get3A_257] {strides = array<i32>} : memref<512xf32, #tpu.memory_space<vmem>>, vector<16xf32>,
    %add3A_259 = arith.addf %get3A_258, %gather3A_256 : vector<16xf32>
    %swap3A_260 = arith.constant 496 : index
    %swap3A_261 = tpu.vector_load %arg11[%swap3A_260] {strides = array<i32>} : memref<512xf32, #tpu.memory_space<vmem>>, vector<16xf32>,
    tpu.vector_store %arg11[%swap3A_260], %add3A_259 {strides = array<i32>} : memref<512xf32, #tpu.memory_space<vmem>>, vector<16xf32>,
    "tpu.region"() ({
      %run_scoped3A = tpu.sem_alloc : memref<!tpu.dma_semaphore, #tpu.memory_space<semaphore_mem>>
      %dma_start3A_262 = tpu.memref_slice %arg6[%mul3A_2] : memref<16384xf32, #tpu.memory_space<hbm>> -> memref<512xf32, #tpu.memory_space<hbm>>
      %dma_start3A_263 = tpu.memref_slice %arg6[%mul3A_2] : memref<16384xf32, #tpu.memory_space<hbm>> -> memref<512xf32, #tpu.memory_space<hbm>>
      tpu.enqueue_dma source(%arg11 : memref<512xf32, #tpu.memory_space<vmem>>) target(%dma_start3A_263 : memref<512xf32, #tpu.memory_space<hbm>>) target_semaphore(%run_scoped3A : memref<!tpu.dma_semaphore, #tpu.memory_space<semaphore_mem>>)
      %dma_wait3A_264 = tpu.memref_slice %arg6[%mul3A_2] : memref<16384xf32, #tpu.memory_space<hbm>> -> memref<512xf32, #tpu.memory_space<hbm>>
      %dma_wait3A_265 = tpu.memref_slice %arg6[%mul3A_2] : memref<16384xf32, #tpu.memory_space<hbm>> -> memref<512xf32, #tpu.memory_space<hbm>>
      tpu.wait_dma2 semaphore(%run_scoped3A : memref<!tpu.dma_semaphore, #tpu.memory_space<semaphore_mem>>) src(%arg11 : memref<512xf32, #tpu.memory_space<vmem>>) dst(%dma_wait3A_265 : memref<512xf32, #tpu.memory_space<hbm>>)
      tpu.yield
    }) : () -> ()
    return
  }
}

module attributes {stable_mosaic.version = 14 : i64} {
  func.func @_score_body(%arg0: i32, %arg1: memref<1x160xf32, #tpu.memory_space<vmem>>, %arg2: memref<16x51200xf32, #tpu.memory_space<vmem>>, %arg3: memref<16x1024xf32, #tpu.memory_space<vmem>>, %arg4: memref<51200xf32, #tpu.memory_space<vmem>>, %arg5: memref<1024xf32, #tpu.memory_space<vmem>>) attributes {dimension_semantics = [#tpu.dimension_semantics<arbitrary>], iteration_bounds = array<i64: 2>, scalar_prefetch = 0 : i64, scratch_operands = 0 : i64, tpu.core_type = #tpu.core_type<tc>, window_params = [{pipeline_mode = #tpu.pipeline_mode<synchronous>, transform_indices = @transform_0, window_bounds = array<i64: 1, 160>}, {transform_indices = @transform_1, window_bounds = array<i64: 16, 51200>}, {transform_indices = @transform_2, window_bounds = array<i64: 16, 1024>}, {transform_indices = @transform_3, window_bounds = array<i64: 51200>}, {pipeline_mode = #tpu.pipeline_mode<synchronous>, transform_indices = @transform_4, window_bounds = array<i64: 1024>}]} {
    %get3A = arith.constant 0 : index
    %get3A_0 = arith.constant 128 : index
    %get3A_1 = vector.load %arg1[%get3A, %get3A_0] : memref<1x160xf32, #tpu.memory_space<vmem>>, vector<1x16xf32>
    %get3A_2 = vector.shape_cast %get3A_1 : vector<1x16xf32> to vector<16xf32>
    %reshape3A = vector.shape_cast %get3A_2 : vector<16xf32> to vector<16x1xf32>
    %get3A_3 = arith.constant 0 : index
    %get3A_4 = arith.constant 144 : index
    %get3A_5 = vector.load %arg1[%get3A_3, %get3A_4] : memref<1x160xf32, #tpu.memory_space<vmem>>, vector<1x16xf32>
    %get3A_6 = vector.shape_cast %get3A_5 : vector<1x16xf32> to vector<16xf32>
    %reshape3A_7 = vector.shape_cast %get3A_6 : vector<16xf32> to vector<16x1xf32>
    %get3A_8 = arith.constant 0 : index
    %get3A_9 = arith.constant 0 : index
    %get3A_10 = vector.load %arg2[%get3A_8, %get3A_9] : memref<16x51200xf32, #tpu.memory_space<vmem>>, vector<16x51200xf32>
    %mul3A = vector.broadcast %reshape3A : vector<16x1xf32> to vector<16x51200xf32>
    %mul3A_11 = arith.mulf %get3A_10, %mul3A : vector<16x51200xf32>
    %reduce_sum3A = arith.constant dense<0.000000e+00> : vector<51200xf32>
    %reduce_sum3A_12 = vector.multi_reduction <add>, %mul3A_11, %reduce_sum3A [0] : vector<16x51200xf32> to vector<51200xf32>
    %swap3A = arith.constant 0 : index
    %swap3A_13 = vector.load %arg4[%swap3A] : memref<51200xf32, #tpu.memory_space<vmem>>, vector<51200xf32>
    tpu.vector_store %arg4[%swap3A], %reduce_sum3A_12 {strides = array<i32>} : memref<51200xf32, #tpu.memory_space<vmem>>, vector<51200xf32>,
    %get3A_14 = arith.constant 0 : index
    %get3A_15 = arith.constant 0 : index
    %get3A_16 = vector.load %arg3[%get3A_14, %get3A_15] : memref<16x1024xf32, #tpu.memory_space<vmem>>, vector<16x1024xf32>
    %mul3A_17 = vector.broadcast %reshape3A_7 : vector<16x1xf32> to vector<16x1024xf32>
    %mul3A_18 = arith.mulf %get3A_16, %mul3A_17 : vector<16x1024xf32>
    %reduce_sum3A_19 = arith.constant dense<0.000000e+00> : vector<1024xf32>
    %reduce_sum3A_20 = vector.multi_reduction <add>, %mul3A_18, %reduce_sum3A_19 [0] : vector<16x1024xf32> to vector<1024xf32>
    %swap3A_21 = arith.constant 0 : index
    %swap3A_22 = vector.load %arg5[%swap3A_21] : memref<1024xf32, #tpu.memory_space<vmem>>, vector<1024xf32>
    tpu.vector_store %arg5[%swap3A_21], %reduce_sum3A_20 {strides = array<i32>} : memref<1024xf32, #tpu.memory_space<vmem>>, vector<1024xf32>,
    return
  }
  func.func @transform_0(%arg0: i32) -> (i32, i32) {
    %c0_i32 = arith.constant 0 : i32
    %c0_i32_0 = arith.constant 0 : i32
    %c0_i32_1 = arith.constant 0 : i32
    return %c0_i32, %c0_i32_0 : i32, i32
  }
  func.func @transform_1(%arg0: i32) -> (i32, i32) {
    %c0_i32 = arith.constant 0 : i32
    %c0_i32_0 = arith.constant 0 : i32
    return %c0_i32, %arg0 : i32, i32
  }
  func.func @transform_2(%arg0: i32) -> (i32, i32) {
    %c0_i32 = arith.constant 0 : i32
    %c0_i32_0 = arith.constant 0 : i32
    %c0_i32_1 = arith.constant 0 : i32
    return %c0_i32, %c0_i32_0 : i32, i32
  }
  func.func @transform_3(%arg0: i32) -> i32 {
    %c0_i32 = arith.constant 0 : i32
    return %arg0 : i32
  }
  func.func @transform_4(%arg0: i32) -> i32 {
    %c0_i32 = arith.constant 0 : i32
    %c0_i32_0 = arith.constant 0 : i32
    return %c0_i32 : i32
  }
}

module attributes {stable_mosaic.version = 14 : i64} {
  func.func @_add_body(%arg0: memref<16384xf32, #tpu.memory_space<vmem>>, %arg1: memref<16384xf32, #tpu.memory_space<vmem>>, %arg2: memref<16384xf32, #tpu.memory_space<vmem>>) attributes {dimension_semantics = [], scalar_prefetch = 0 : i64, scratch_operands = 0 : i64, tpu.core_type = #tpu.core_type<tc>} {
    %get3A = arith.constant 0 : index
    %get3A_0 = vector.load %arg0[%get3A] : memref<16384xf32, #tpu.memory_space<vmem>>, vector<16384xf32>
    %get3A_1 = arith.constant 0 : index
    %get3A_2 = vector.load %arg1[%get3A_1] : memref<16384xf32, #tpu.memory_space<vmem>>, vector<16384xf32>
    %add3A = arith.addf %get3A_0, %get3A_2 : vector<16384xf32>
    %swap3A = arith.constant 0 : index
    %swap3A_3 = vector.load %arg2[%swap3A] : memref<16384xf32, #tpu.memory_space<vmem>>, vector<16384xf32>
    tpu.vector_store %arg2[%swap3A], %add3A {strides = array<i32>} : memref<16384xf32, #tpu.memory_space<vmem>>, vector<16384xf32>,
    return
  }
}

module attributes {stable_mosaic.version = 14 : i64} {
  func.func @_head_body(%arg0: i32, %arg1: memref<1xf32, #tpu.memory_space<smem>>, %arg2: memref<1x160xf32, #tpu.memory_space<vmem>>, %arg3: memref<8192x128xf32, #tpu.memory_space<vmem>>, %arg4: memref<8192xf32, #tpu.memory_space<vmem>>) attributes {dimension_semantics = [#tpu.dimension_semantics<arbitrary>], iteration_bounds = array<i64: 2>, scalar_prefetch = 0 : i64, scratch_operands = 0 : i64, tpu.core_type = #tpu.core_type<tc>, window_params = [{transform_indices = @transform_0, window_bounds = array<i64: 1>}, {pipeline_mode = #tpu.pipeline_mode<synchronous>, transform_indices = @transform_1, window_bounds = array<i64: 1, 160>}, {transform_indices = @transform_2, window_bounds = array<i64: 8192, 128>}, {transform_indices = @transform_3, window_bounds = array<i64: 8192>}]} {
    %get3A = arith.constant 0 : index
    %get3A_0 = arith.constant 0 : index
    %get3A_1 = vector.load %arg2[%get3A, %get3A_0] : memref<1x160xf32, #tpu.memory_space<vmem>>, vector<1x128xf32>
    %get3A_2 = vector.shape_cast %get3A_1 : vector<1x128xf32> to vector<128xf32>
    %reshape3A = vector.shape_cast %get3A_2 : vector<128xf32> to vector<128x1xf32>
    %get3A_3 = arith.constant 0 : index
    %get3A_4 = arith.constant 0 : index
    %get3A_5 = vector.load %arg3[%get3A_3, %get3A_4] : memref<8192x128xf32, #tpu.memory_space<vmem>>, vector<8192x128xf32>
    %dot_general3A = arith.constant dense<0.000000e+00> : vector<8192x1xf32>
    %dot_general3A_6 = tpu.matmul %get3A_5, %reshape3A, %dot_general3A {dimension_numbers = #tpu.dot_dimension_numbers<[1], [0], [0], [1], [0, 0, 1, 1], [], []>, transpose_lhs_hint = false} : vector<8192x128xf32>, vector<128x1xf32>, vector<8192x1xf32> -> vector<8192x1xf32>
    %reshape3A_7 = vector.shape_cast %dot_general3A_6 : vector<8192x1xf32> to vector<8192xf32>
    %get3A_8 = arith.constant 0 : index
    %get3A_9 = memref.load %arg1[%get3A_8] : memref<1xf32, #tpu.memory_space<smem>>
    %add3A = vector.broadcast %get3A_9 : f32 to vector<8192xf32>
    %add3A_10 = arith.addf %reshape3A_7, %add3A : vector<8192xf32>
    %swap3A = arith.constant 0 : index
    %swap3A_11 = vector.load %arg4[%swap3A] : memref<8192xf32, #tpu.memory_space<vmem>>, vector<8192xf32>
    tpu.vector_store %arg4[%swap3A], %add3A_10 {strides = array<i32>} : memref<8192xf32, #tpu.memory_space<vmem>>, vector<8192xf32>,
    return
  }
  func.func @transform_0(%arg0: i32) -> i32 {
    %c0_i32 = arith.constant 0 : i32
    %c0_i32_0 = arith.constant 0 : i32
    return %c0_i32 : i32
  }
  func.func @transform_1(%arg0: i32) -> (i32, i32) {
    %c0_i32 = arith.constant 0 : i32
    %c0_i32_0 = arith.constant 0 : i32
    %c0_i32_1 = arith.constant 0 : i32
    return %c0_i32, %c0_i32_0 : i32, i32
  }
  func.func @transform_2(%arg0: i32) -> (i32, i32) {
    %c0_i32 = arith.constant 0 : i32
    %c0_i32_0 = arith.constant 0 : i32
    return %arg0, %c0_i32 : i32, i32
  }
  func.func @transform_3(%arg0: i32) -> i32 {
    %c0_i32 = arith.constant 0 : i32
    return %arg0 : i32
  }
}

</mosaic_0001>

<sc_bundles>
// kernel: kernel.6.cloned.1.call-start
scs
__scs_entry_jumppad:
0x0: {  	(pc) =	sbr.rel $0x88, $3  }
0x1: {  	(tag) =	ssettag $0x0;
	lr =	simm.s32 $0x1  }
0x2: {  	[smem:$0x3F9A] =	sst lr;
	_ =	strace $0xD0000000  }
0x3: {  	_ = 	snop  }
0x4: {  	_ = 	snop  }
0x5: {  	_ = 	snop  }
0x6: {  	_ = 	snop  }
0x7: {  	_ = 	snop  }
__scs_overlays_trampoline_lowered:
0x8: {  	[smem:$0x3FA9] =	sst s0  }
0x9: {  	[smem:$0x3FAA] =	sst s1  }
0xa: {  	[smem:$0x3FAB] =	sst s2  }
0xb: {  	[smem:$0x3FAC] =	sst s3  }
0xc: {  	[smem:$0x3FAD] =	sst s4  }
0xd: {  	[smem:$0x3FAE] =	sst s5  }
0xe: {  	[smem:$0x3FAF] =	sst s6  }
0xf: {  	[smem:$0x3FB0] =	sst s7  }
0x10: {  	[smem:$0x3FB1] =	sst s8  }
0x11: {  	[smem:$0x3FB2] =	sst s9;
	s0 =	simm.s32 @!p0 $0x0  }
0x12: {  	s1 =	sld [smem:$0x3F98];
	s0 =	simm.s32 @p0 $0x1  }
0x13: {  	[smem:$0x3FB3] =	sst s0;
	s0 =	simm.s32 @!p1 $0x0  }
0x14: {  	s2 =	sld [smem:$0x3F97];
	s0 =	simm.s32 @p1 $0x1  }
0x15: {  	[smem:$0x3FB4] =	sst s0;
	s0 =	simm.s32 @!p2 $0x0  }
0x16: {  	s3 =	sld [smem:$0x3FDB];
	s0 =	simm.s32 @p2 $0x1  }
0x17: {  	s4 =	simm.s32 $0x1BF5;
	[smem:$0x3FB6] =	sst s0  }
0x18: {  	s0 =	sld [smem:$0x3F99];
	_ =	swait.ge [sflag:s4], $0x0  }
0x19: {  	s7 =	sld [smem:$0x3F9A]  }
0x1a: {  	s8 =	sadd.s32 $0xFFFFE003, lr  }
0x1b: {  	s9 =	sadd.s32 $0xFFFFFEF7, lr;
	s5 =	simm.s32 $0xFFFFFFFF;
	p2 =	slt.u32 s8, $0xFFFFF086  }
0x1c: {  	p1 =	slt.u32 s9, $0xF7A;
	s5 =	simm.s32 @!p2 $0x0  }
0x1d: {  	s5 =	simm.s32 @p1 $0x1;
	p0 =	seq.s32 s7, s2  }
0x1e: {  	s7 =	smul.u32 @!p0 $0xF7A, s2;
	p2 =	seq.s32 @!p0 s5, $0x0  }
0x1f: {  	s9 =	smul.u32 $0xF7A, s1;
	s8 =	simm.s32 @!p0 $0x1BF5;
	p2 =	por !p2, p0  }
0x20: {  	[sflag:s8] =	ssyncset.s32 @!p0 $0xFFFFF086;
	s6 =	sadd.s32 @!p0 s3, s7;
	s7 =	simm.s32 @!p0 $0x108  }
0x21: {  	s3 =	sadd.s32 s3, s9;
	s6 =	sadd.s32 @!p0 $0x88, s6;
	s7 =	simm.s32 @p2 $0x1082  }
0x22: {  	[simem:s7], [sflag:s8] =	dma.local @!p0 [hbm:s6], $0xF7A  }
0x23: {  	s9 =	sor.u32 $0xD0000000, s2;
	s6 =	simm.s32 $0x108;
	_ =	swait.ge @!p0 [sflag:s8], $0x0  }
0x24: {  	s3 =	sadd.s32 $0x88, s3;
	s6 =	simm.s32 @!p1 $0x1082;
	[sflag:s4] =	ssyncset.s32 $0xFFFFF086  }
0x25: {  	[simem:s6], [sflag:s4] =	dma.local [hbm:s3], $0xF7A  }
0x26: {  	[smem:$0x3F9A] =	sst s1;
	(tag) =	ssettag s2;
	_ =	strace s9  }
0x27: {  	s1 =	sld [smem:$0x3FAA]  }
0x28: {  	s2 =	sld [smem:$0x3FAB]  }
0x29: {  	s4 =	sld [smem:$0x3FAD]  }
0x2a: {  	p0 =	seq.s32 s5, $0x0;
	s5 =	sld [smem:$0x3FAE]  }
0x2b: {  	s6 =	sld [smem:$0x3FAF]  }
0x2c: {  	s7 =	sld [smem:$0x3FB0]  }
0x2d: {  	s3 =	simm.s32 $0x108;
	s8 =	sld [smem:$0x3FB1]  }
0x2e: {  	s3 =	simm.s32 @!p0 $0x1082;
	s9 =	sld [smem:$0x3FB2]  }
0x2f: {  	lr =	sadd.s32 s0, s3;
	s0 =	sld [smem:$0x3FA9]  }
0x30: {  	s3 =	sld [smem:$0x3FAC]  }
0x31: {  	[smem:$0x3FB5] =	sst s10  }
0x32: {  	s10 =	sld [smem:$0x3FB3];
	_ =	sdelay $0x3  }
0x33: {  	p0 =	seq.s32 s10, $0x1;
	s10 =	sld [smem:$0x3FB5];
	_ =	sdelay $0x3  }
0x34: {  	[smem:$0x3FB5] =	sst s10  }
0x35: {  	s10 =	sld [smem:$0x3FB4];
	_ =	sdelay $0x3  }
0x36: {  	p1 =	seq.s32 s10, $0x1;
	s10 =	sld [smem:$0x3FB5];
	_ =	sdelay $0x3  }
0x37: {  	[smem:$0x3FB5] =	sst s10  }
0x38: {  	s10 =	sld [smem:$0x3FB6]  }
0x39: {  	_ = 	snop;
	(pc) =	sbr.ind lr, $3  }
0x3a: {  	_ = 	snop  }
0x3b: {  	_ = 	snop  }
0x3c: {  	p2 =	seq.s32 s10, $0x1;
	s10 =	sld [smem:$0x3FB5]  }
0x3d: {  	_ =	shalt  }
0x3e: {  	_ =	shalt  }
0x3f: {  	_ =	shalt  }
0x40: {  	_ =	shalt  }
0x41: {  	_ =	shalt  }
0x42: {  	_ =	shalt  }
0x43: {  	_ =	shalt  }
0x44: {  	_ =	shalt  }
0x45: {  	_ =	shalt  }
0x46: {  	_ =	shalt  }
0x47: {  	_ =	shalt  }
0x48: {  	_ =	shalt  }
0x49: {  	_ =	shalt  }
0x4a: {  	_ =	shalt  }
0x4b: {  	_ =	shalt  }
0x4c: {  	_ =	shalt  }
0x4d: {  	_ =	shalt  }
0x4e: {  	_ =	shalt  }
0x4f: {  	_ =	shalt  }
0x50: {  	_ =	shalt  }
0x51: {  	_ =	shalt  }
0x52: {  	_ =	shalt  }
0x53: {  	_ =	shalt  }
0x54: {  	_ =	shalt  }
0x55: {  	_ =	shalt  }
0x56: {  	_ =	shalt  }
0x57: {  	_ =	shalt  }
0x58: {  	_ =	shalt  }
0x59: {  	_ =	shalt  }
0x5a: {  	_ =	shalt  }
0x5b: {  	_ =	shalt  }
0x5c: {  	_ =	shalt  }
0x5d: {  	_ =	shalt  }
0x5e: {  	_ =	shalt  }
0x5f: {  	_ =	shalt  }
0x60: {  	_ =	shalt  }
0x61: {  	_ =	shalt  }
0x62: {  	_ =	shalt  }
0x63: {  	_ =	shalt  }
0x64: {  	_ =	shalt  }
0x65: {  	_ =	shalt  }
0x66: {  	_ =	shalt  }
0x67: {  	_ =	shalt  }
0x68: {  	_ =	shalt  }
0x69: {  	_ =	shalt  }
0x6a: {  	_ =	shalt  }
0x6b: {  	_ =	shalt  }
0x6c: {  	_ =	shalt  }
0x6d: {  	_ =	shalt  }
0x6e: {  	_ =	shalt  }
0x6f: {  	_ =	shalt  }
0x70: {  	_ =	shalt  }
0x71: {  	_ =	shalt  }
0x72: {  	_ =	shalt  }
0x73: {  	_ =	shalt  }
0x74: {  	_ =	shalt  }
0x75: {  	_ =	shalt  }
0x76: {  	_ =	shalt  }
0x77: {  	_ =	shalt  }
0x78: {  	_ =	shalt  }
0x79: {  	_ =	shalt  }
0x7a: {  	_ =	shalt  }
0x7b: {  	_ =	shalt  }
0x7c: {  	_ =	shalt  }
0x7d: {  	_ =	shalt  }
0x7e: {  	_ =	shalt  }
0x7f: {  	_ =	shalt  }
0x80: {  	_ =	shalt  }
0x81: {  	_ =	shalt  }
0x82: {  	_ =	shalt  }
0x83: {  	_ =	shalt  }
0x84: {  	_ =	shalt  }
0x85: {  	_ =	shalt  }
0x86: {  	_ =	shalt  }
0x87: {  	_ =	shalt  }
.Lfunc_end0:
.L_simem_size_0:
called_computation_lowered:
.L_overlay_start_0:
0x88: {  	s2 =	sld [smem:$0x3FD9]  }
0x89: {  	s3 =	sld [smem:$0x3FFE];
	_ =	sdelay $0x1  }
0x8a: {  	s1 =	srdreg.scid  }
0x8b: {  	s0 =	sand.u32 $0x1, s1  }
0x8c: {  	s17 =	sshll.u32 s0, $0xA;
	s2 =	sadd.s32 s3, s2  }
0x8d: {  	s2 =	sadd.s32 s2, s17  }
0x8e: {  	[smem:$0x3FC1] =	sst s2  }
0x8f: {  	_ = 	snop  }
0x90: {  	s2 =	sld [smem:$0x3FC8]  }
0x91: {  	s18 =	sld [smem:$0x3FC7]  }
0x92: {  	s4 =	sld [smem:$0x3FD0];
	(tm) =	ssettm $0x1  }
0x93: {  	s5 =	sld [smem:$0x3FFB];
	_ =	sdelay $0x3  }
0x94: {  	_ =	strace s5  }
0x95: {  	s5 =	sld [smem:$0x3FFC];
	_ =	sdelay $0x3  }
0x96: {  	_ =	strace s5  }
0x97: {  	s5 =	sld [smem:$0x3FFD];
	_ =	sdelay $0x3  }
0x98: {  	_ =	strace s5  }
0x99: {  	_ =	strace $0x8FFFFFFF  }
0x9a: {  	s19 =	sld [smem:$0x3FDB];
	_ =	sdelay $0x1  }
0x9b: {  	s6 =	simm.s32 $_scs_section_size  }
0x9c: {  	s7 =	simm.s32 $_size__tile_overlayer_lowered;
	s8 =	simm.s32 $_tile_overlayer_lowered  }
0x9d: {  	s22 =	simm.s32 $0x1BFF;
	s21 =	sshll.u32 s8, $0x1;
	s5 =	sadd.s32 s6, s19  }
0x9e: {  	s9 =	simm.s32 $0x0;
	s20 =	sshll.u32 s7, $0x1;
	s7 =	sadd.s32 s21, s5  }
0x9f: {  	[timem:s9], [sflag:s22] =	dma.local [hbm:s7], s20  }
0xa0: {  	_ =	swait.ge [sflag:s22], s20  }
0xa1: {  	s6 =	ssub.s32 $0x0, s20;
	[sflag:s22] =	ssyncset.done $0x0  }
0xa2: {  	[sflag:s22] =	ssyncadd.s32 s6;
	_ =	sdelay $0x1  }
0xa3: {  	s23 =	simm.s32 $0x1B8B  }
0xa4: {  	_ =	swait.ge [sflag:s23], $0x1  }
0xa5: {  	[sflag:s23] =	ssyncset.done $0x0  }
0xa6: {  	s25 =	simm.s32 $0x1B8E;
	s24 =	sld [smem:$0x3FFE];
	[sflag:s23] =	ssyncadd.s32 $0xFFFFFFFF  }
0xa7: {  	s26 =	simm.s32 $execute0_lowered;
	[smem:$0x3FD2] =	sst s25  }
0xa8: {  	s7 =	sshll.u32 s26, $0x1;
	_ =	strace $0x80000046;
	[dreg:$0x1] =	wrdreg $0xFFFFFFFF  }
0xa9: {  	s28 =	simm.s32 $_size_execute0_lowered;
	s5 =	sadd.s32 s5, s7;
	[dreg:$0x0] =	wrdreg $0x0  }
0xaa: {  	s7 =	sshll.u32 s28, $0x1;
	[dreg:$0x2] =	wrdreg s5  }
0xab: {  	[dreg:$0x3] =	wrdreg s7  }
0xac: {  	[dreg:$0x4] =	wrdreg $0xC0  }
0xad: {  	_ =	task [dreg:s9], $0x5FFFF  }
0xae: {  	[dreg:$0x1] =	wrdreg $0xFFFFFFFF  }
0xaf: {  	[dreg:$0x0] =	wrdreg $0x60  }
0xb0: {  	[dreg:$0x2] =	wrdreg s24  }
0xb1: {  	[dreg:$0x3] =	wrdreg s2  }
0xb2: {  	[dreg:$0x4] =	wrdreg s18  }
0xb3: {  	[dreg:$0x5] =	wrdreg s4  }
0xb4: {  	[dreg:$0x6] =	wrdreg $0xC000  }
0xb5: {  	[dreg:$0x7] =	wrdreg $0x9  }
0xb6: {  	_ =	task.clear_ibuf [dreg:s9], $0x8FFFF;
	_ =	strace $0x90000046  }
0xb7: {  	s29 =	simm.s32 $0x9;
	_ =	strace $0x80000048  }
0xb8: {  	_ =	swait.ge [sflag:s29], $0x1  }
0xb9: {  	[sflag:s29] =	ssyncadd.s32 $0xFFFFFFFF  }
0xba: {  	_ =	strace $0x90000048  }
0xbb: {  	_ =	sfence  }
0xbc: {  	s30 =	sld [smem:$0x0];
	_ =	sdelay $0x2  }
0xbd: {  	s31 =	sshll.u32 s1, $0xD;
	s1 =	sshrl.u32 s1, $0x2  }
0xbe: {  	s3 =	sand.u32 $0x4000, s31;
	s1 =	sadd.s32 s1, s30  }
0xbf: {  	s0 =	sor.u32 s3, s0;
	s1 =	sshll.u32 s1, $0x11  }
0xc0: {  	s0 =	sor.u32 s1, s0  }
0xc1: {  	s0 =	sadd.s32 $0x8F2B, s0  }
0xc2: {  	[sflag:s0] =	ssyncadd.remote.s32 $0x1  }
0xc3: {  	_ =	sfence.sel $0xFFFF  }
0xc4: {  	[dreg:$0x0] =	wrdreg $0xFFFFFFFF;
	(pc) =	sbr.abs _section_cstart, $3  }
0xc5: {  	[dreg:$0x1] =	wrdreg $0xFFFFFFFF  }
0xc6: {  	_ =	task.clear_ibuf [dreg:s9], $0x2FFFF;
	_ =	strace $0x9FFFFFFF  }
0xc7: {  	(tm) =	ssettm $0x7FFFFFFF  }
tec
execute0_lowered:
.L_overlay_start_1:
0x0: {  	(tag) =	ssettag $0x1  }
0x1: {  	s11 =	rddreg [dreg:$0x0]  }
0x2: {  	s8 =	rddreg [dreg:$0x1]  }
0x3: {  	s9 =	rddreg [dreg:$0x2]  }
0x4: {  	s15 =	rddreg [dreg:$0x3]  }
0x5: {  	s2 =	rddreg [dreg:$0x4]  }
0x6: {  	s0 =	stileid.u32;
	s1 =	rddreg [dreg:$0x5]  }
0x7: {  	s3 =	simm.s32 $0x0;
	s6 =	srdreg.scid;
	s4 =	smul.u32 $0x1880, s0  }
0x8: {  	[smem:$0x7FF] =	sst s3;
	s16 =	sand.u32 $0x1, s6  }
0x9: {  	s30 =	sshll.u32 s0, $0x6;
	s6 =	simm.s32 $0x2;
	s5 =	sshrl.u32 s4, $0x3  }
0xa: {  	_ =	strace $0x80000047;
	s29 =	sadd.s32 s4, s2;
	s5 =	sadd.s32 s5, s11  }
0xb: {  	s7 =	sshrl.u32 s29, $0x3;
	s4 =	sadd.s32 $0x1600, s5;
	s5 =	sor.u32 $0x1C02, s30  }
0xc: {  	[spmem:s7], [sflag:s5] =	dma.local [hbm:s4], $0x310  }
0xd: {  	s10 =	sshll.u32 s0, $0x7;
	s12 =	sshll.u32 s16, $0x6;
	_ =	swait.ge [sflag:s6], $0x310  }
0xe: {  	s17 =	sor.u32 s12, s10;
	[sflag:s6] =	ssyncset.done $0x0  }
0xf: {  	s8 =	sadd.s32 s8, s17;
	[sflag:s6] =	ssyncadd.s32 $0xFFFFFCF0  }
0x10: {  	[tilespmem:s3], [sflag:$0x2] =	stream.linear.gather [hbm4b:s8+s3], $0x200, $0x38;
	[tilespmem:$0x2480] =	vst v63  }
0x11: {  	_ =	swait.ge [sflag:s6], $0x200  }
0x12: {  	[sflag:s6] =	ssyncset.done $0x0  }
0x13: {  	s10 =	simm.s32 $0x200;
	s9 =	sadd.s32 s9, s17;
	[sflag:s6] =	ssyncadd.s32 $0xFFFFFE00  }
0x14: {  	[tilespmem:s10], [sflag:$0x2] =	stream.linear.gather [hbm4b:s9+s3], $0x200, $0x38;
	[tilespmem:$0x2480] =	vst v63  }
0x15: {  	_ =	swait.ge [sflag:s6], $0x200  }
0x16: {  	[sflag:s6] =	ssyncset.done $0x0  }
0x17: {  	s12 =	simm.s32 $0x600;
	s11 =	sadd.s32 $0x4800, s11;
	[sflag:s6] =	ssyncadd.s32 $0xFFFFFE00  }
0x18: {  	[tilespmem:s12], [sflag:$0x2] =	stream.linear.gather [hbm4b:s11+s3], $0x400, $0x38;
	[tilespmem:$0x2480] =	vst v63  }
0x19: {  	_ =	swait.ge [sflag:s6], $0x400  }
0x1a: {  	[sflag:s6] =	ssyncset.done $0x0  }
0x1b: {  	[sflag:s6] =	ssyncadd.s32 $0xFFFFFC00  }
0x1c: {  	s13 =	simm.s32 $0x400;
	s14 =	simm.s32 $0x1;
	[bflag:$0x0] =	sbarrier.arrive $0xFFFF  }
0x1d: {  	[tilespmem:s13], [sflag:$0x1] =	stream.indirect.gather [spmem:s2], $0x1, s3, s10, $0xb8;
	[tilespmem:$0x2480] =	vst v63  }
0x1e: {  	_ =	swait.ge [sflag:s14], $0x200  }
0x1f: {  	[sflag:s14] =	ssyncset.done $0x0  }
0x20: {  	[sflag:s14] =	ssyncadd.s32 $0xFFFFFE00  }
0x21: {  	v0 =	vld [tilespmem:$0x200];
	_ =	sdelay $0x5  }
0x22: {  	v1 =	vld [tilespmem:$0x210]  }
0x23: {  	v2 =	vld [tilespmem:$0x400]  }
0x24: {  	v0 =	vld.idx.msk [tilespmem:v0+s12+$0x0], $0xffff;
	_ =	sdelay $0x4  }
0x25: {  	v0 =	vadd.f32 v2, v0  }
0x26: {  	v63 =	vld [tilespmem:$0x220]  }
0x27: {  	v4 =	vld [tilespmem:$0x410];
	[tilespmem:$0xA00] =	vst v0  }
0x28: {  	v1 =	vld.idx.msk [tilespmem:v1+s12+$0x0], $0xffff;
	_ =	sdelay $0x4  }
0x29: {  	v1 =	vadd.f32 v4, v1  }
0x2a: {  	v5 =	vld [tilespmem:$0x230]  }
0x2b: {  	v6 =	vld [tilespmem:$0x420];
	[tilespmem:$0xA10] =	vst v1  }
0x2c: {  	v0 =	vld.idx.msk [tilespmem:v63+s12+$0x0], $0xffff;
	_ =	sdelay $0x4  }
0x2d: {  	v0 =	vadd.f32 v6, v0  }
0x2e: {  	v7 =	vld [tilespmem:$0x240]  }
0x2f: {  	v8 =	vld [tilespmem:$0x430];
	[tilespmem:$0xA20] =	vst v0  }
0x30: {  	v1 =	vld.idx.msk [tilespmem:v5+s12+$0x0], $0xffff;
	_ =	sdelay $0x4  }
0x31: {  	v1 =	vadd.f32 v8, v1  }
0x32: {  	v9 =	vld [tilespmem:$0x250]  }
0x33: {  	v10 =	vld [tilespmem:$0x440];
	[tilespmem:$0xA30] =	vst v1  }
0x34: {  	v0 =	vld.idx.msk [tilespmem:v7+s12+$0x0], $0xffff;
	_ =	sdelay $0x4  }
0x35: {  	v0 =	vadd.f32 v10, v0  }
0x36: {  	v11 =	vld [tilespmem:$0x260]  }
0x37: {  	v12 =	vld [tilespmem:$0x450];
	[tilespmem:$0xA40] =	vst v0  }
0x38: {  	v1 =	vld.idx.msk [tilespmem:v9+s12+$0x0], $0xffff;
	_ =	sdelay $0x4  }
0x39: {  	v1 =	vadd.f32 v12, v1  }
0x3a: {  	v13 =	vld [tilespmem:$0x270]  }
0x3b: {  	v14 =	vld [tilespmem:$0x460];
	[tilespmem:$0xA50] =	vst v1  }
0x3c: {  	v0 =	vld.idx.msk [tilespmem:v11+s12+$0x0], $0xffff;
	_ =	sdelay $0x4  }
0x3d: {  	v0 =	vadd.f32 v14, v0  }
0x3e: {  	v15 =	vld [tilespmem:$0x280]  }
0x3f: {  	v16 =	vld [tilespmem:$0x470];
	[tilespmem:$0xA60] =	vst v0  }
0x40: {  	v1 =	vld.idx.msk [tilespmem:v13+s12+$0x0], $0xffff;
	_ =	sdelay $0x4  }
0x41: {  	v1 =	vadd.f32 v16, v1  }
0x42: {  	v17 =	vld [tilespmem:$0x290]  }
0x43: {  	v18 =	vld [tilespmem:$0x480];
	[tilespmem:$0xA70] =	vst v1  }
0x44: {  	v0 =	vld.idx.msk [tilespmem:v15+s12+$0x0], $0xffff;
	_ =	sdelay $0x4  }
0x45: {  	v0 =	vadd.f32 v18, v0  }
0x46: {  	v19 =	vld [tilespmem:$0x2A0]  }
0x47: {  	v20 =	vld [tilespmem:$0x490];
	[tilespmem:$0xA80] =	vst v0  }
0x48: {  	v1 =	vld.idx.msk [tilespmem:v17+s12+$0x0], $0xffff;
	_ =	sdelay $0x4  }
0x49: {  	v1 =	vadd.f32 v20, v1  }
0x4a: {  	v21 =	vld [tilespmem:$0x2B0]  }
0x4b: {  	v22 =	vld [tilespmem:$0x4A0];
	[tilespmem:$0xA90] =	vst v1  }
0x4c: {  	v0 =	vld.idx.msk [tilespmem:v19+s12+$0x0], $0xffff;
	_ =	sdelay $0x4  }
0x4d: {  	v0 =	vadd.f32 v22, v0  }
0x4e: {  	v23 =	vld [tilespmem:$0x2C0]  }
0x4f: {  	v24 =	vld [tilespmem:$0x4B0];
	[tilespmem:$0xAA0] =	vst v0  }
0x50: {  	v1 =	vld.idx.msk [tilespmem:v21+s12+$0x0], $0xffff;
	_ =	sdelay $0x4  }
0x51: {  	v1 =	vadd.f32 v24, v1  }
0x52: {  	v25 =	vld [tilespmem:$0x2D0]  }
0x53: {  	v26 =	vld [tilespmem:$0x4C0];
	[tilespmem:$0xAB0] =	vst v1  }
0x54: {  	v0 =	vld.idx.msk [tilespmem:v23+s12+$0x0], $0xffff;
	_ =	sdelay $0x4  }
0x55: {  	v0 =	vadd.f32 v26, v0  }
0x56: {  	v27 =	vld [tilespmem:$0x2E0]  }
0x57: {  	v28 =	vld [tilespmem:$0x4D0];
	[tilespmem:$0xAC0] =	vst v0  }
0x58: {  	v1 =	vld.idx.msk [tilespmem:v25+s12+$0x0], $0xffff;
	_ =	sdelay $0x4  }
0x59: {  	v1 =	vadd.f32 v28, v1  }
0x5a: {  	v29 =	vld [tilespmem:$0x2F0]  }
0x5b: {  	v30 =	vld [tilespmem:$0x4E0];
	[tilespmem:$0xAD0] =	vst v1  }
0x5c: {  	v0 =	vld.idx.msk [tilespmem:v27+s12+$0x0], $0xffff;
	_ =	sdelay $0x4  }
0x5d: {  	v0 =	vadd.f32 v30, v0  }
0x5e: {  	v31 =	vld [tilespmem:$0x300]  }
0x5f: {  	v32 =	vld [tilespmem:$0x4F0];
	[tilespmem:$0xAE0] =	vst v0  }
0x60: {  	v1 =	vld.idx.msk [tilespmem:v29+s12+$0x0], $0xffff;
	_ =	sdelay $0x4  }
0x61: {  	v1 =	vadd.f32 v32, v1  }
0x62: {  	v33 =	vld [tilespmem:$0x310]  }
0x63: {  	v34 =	vld [tilespmem:$0x500];
	[tilespmem:$0xAF0] =	vst v1  }
0x64: {  	v0 =	vld.idx.msk [tilespmem:v31+s12+$0x0], $0xffff;
	_ =	sdelay $0x4  }
0x65: {  	v0 =	vadd.f32 v34, v0  }
0x66: {  	v35 =	vld [tilespmem:$0x320]  }
0x67: {  	v36 =	vld [tilespmem:$0x510];
	[tilespmem:$0xB00] =	vst v0  }
0x68: {  	v1 =	vld.idx.msk [tilespmem:v33+s12+$0x0], $0xffff;
	_ =	sdelay $0x4  }
0x69: {  	v1 =	vadd.f32 v36, v1  }
0x6a: {  	v37 =	vld [tilespmem:$0x330]  }
0x6b: {  	v38 =	vld [tilespmem:$0x520];
	[tilespmem:$0xB10] =	vst v1  }
0x6c: {  	v0 =	vld.idx.msk [tilespmem:v35+s12+$0x0], $0xffff;
	_ =	sdelay $0x4  }
0x6d: {  	v0 =	vadd.f32 v38, v0  }
0x6e: {  	v39 =	vld [tilespmem:$0x340]  }
0x6f: {  	v40 =	vld [tilespmem:$0x530];
	[tilespmem:$0xB20] =	vst v0  }
0x70: {  	v1 =	vld.idx.msk [tilespmem:v37+s12+$0x0], $0xffff;
	_ =	sdelay $0x4  }
0x71: {  	v1 =	vadd.f32 v40, v1  }
0x72: {  	v41 =	vld [tilespmem:$0x350]  }
0x73: {  	v42 =	vld [tilespmem:$0x540];
	[tilespmem:$0xB30] =	vst v1  }
0x74: {  	v0 =	vld.idx.msk [tilespmem:v39+s12+$0x0], $0xffff;
	_ =	sdelay $0x4  }
0x75: {  	v0 =	vadd.f32 v42, v0  }
0x76: {  	v43 =	vld [tilespmem:$0x360]  }
0x77: {  	v44 =	vld [tilespmem:$0x550];
	[tilespmem:$0xB40] =	vst v0  }
0x78: {  	v1 =	vld.idx.msk [tilespmem:v41+s12+$0x0], $0xffff;
	_ =	sdelay $0x4  }
0x79: {  	v1 =	vadd.f32 v44, v1  }
0x7a: {  	v45 =	vld [tilespmem:$0x370]  }
0x7b: {  	v46 =	vld [tilespmem:$0x560];
	[tilespmem:$0xB50] =	vst v1  }
0x7c: {  	v0 =	vld.idx.msk [tilespmem:v43+s12+$0x0], $0xffff;
	_ =	sdelay $0x4  }
0x7d: {  	v0 =	vadd.f32 v46, v0  }
0x7e: {  	v47 =	vld [tilespmem:$0x380]  }
0x7f: {  	v48 =	vld [tilespmem:$0x570];
	[tilespmem:$0xB60] =	vst v0  }
0x80: {  	v1 =	vld.idx.msk [tilespmem:v45+s12+$0x0], $0xffff;
	_ =	sdelay $0x4  }
0x81: {  	v1 =	vadd.f32 v48, v1  }
0x82: {  	v49 =	vld [tilespmem:$0x390]  }
0x83: {  	v50 =	vld [tilespmem:$0x580];
	[tilespmem:$0xB70] =	vst v1  }
0x84: {  	v0 =	vld.idx.msk [tilespmem:v47+s12+$0x0], $0xffff;
	_ =	sdelay $0x4  }
0x85: {  	v0 =	vadd.f32 v50, v0  }
0x86: {  	v51 =	vld [tilespmem:$0x3A0]  }
0x87: {  	v52 =	vld [tilespmem:$0x590];
	[tilespmem:$0xB80] =	vst v0  }
0x88: {  	v1 =	vld.idx.msk [tilespmem:v49+s12+$0x0], $0xffff;
	_ =	sdelay $0x4  }
0x89: {  	v1 =	vadd.f32 v52, v1  }
0x8a: {  	v53 =	vld [tilespmem:$0x3B0]  }
0x8b: {  	v54 =	vld [tilespmem:$0x5A0];
	[tilespmem:$0xB90] =	vst v1  }
0x8c: {  	v0 =	vld.idx.msk [tilespmem:v51+s12+$0x0], $0xffff;
	_ =	sdelay $0x4  }
0x8d: {  	v0 =	vadd.f32 v54, v0  }
0x8e: {  	v55 =	vld [tilespmem:$0x3C0]  }
0x8f: {  	v56 =	vld [tilespmem:$0x5B0];
	[tilespmem:$0xBA0] =	vst v0  }
0x90: {  	v1 =	vld.idx.msk [tilespmem:v53+s12+$0x0], $0xffff;
	_ =	sdelay $0x4  }
0x91: {  	v1 =	vadd.f32 v56, v1  }
0x92: {  	v57 =	vld [tilespmem:$0x3D0]  }
0x93: {  	v58 =	vld [tilespmem:$0x5C0];
	[tilespmem:$0xBB0] =	vst v1  }
0x94: {  	v0 =	vld.idx.msk [tilespmem:v55+s12+$0x0], $0xffff;
	_ =	sdelay $0x4  }
0x95: {  	v0 =	vadd.f32 v58, v0  }
0x96: {  	v59 =	vld [tilespmem:$0x3E0]  }
0x97: {  	v60 =	vld [tilespmem:$0x5D0];
	[tilespmem:$0xBC0] =	vst v0  }
0x98: {  	v1 =	vld.idx.msk [tilespmem:v57+s12+$0x0], $0xffff;
	_ =	sdelay $0x4  }
0x99: {  	v1 =	vadd.f32 v60, v1  }
0x9a: {  	v61 =	vld [tilespmem:$0x3F0]  }
0x9b: {  	v62 =	vld [tilespmem:$0x5E0];
	[tilespmem:$0xBD0] =	vst v1  }
0x9c: {  	v0 =	vld.idx.msk [tilespmem:v59+s12+$0x0], $0xffff;
	_ =	sdelay $0x4  }
0x9d: {  	v0 =	vadd.f32 v62, v0;
	_ =	sdelay $0x1  }
0x9e: {  	v63 =	vld [tilespmem:$0x5F0];
	[tilespmem:$0xBE0] =	vst v0  }
0x9f: {  	v0 =	vld.idx.msk [tilespmem:v61+s12+$0x0], $0xffff  }
0xa0: {  	s16 =	ssub.s32 $0x2, s16  }
0xa1: {  	s18 =	sshrl.u32 s16, $0x1  }
0xa2: {  	s16 =	ssub.s32 s16, s18  }
0xa3: {  	s31 =	smax.u32 s16, $0x1  }
0xa4: {  	p0 =	sne.s32 s31, $0x1;
	v0 =	vadd.f32 v63, v0  }
.Ltmp0:
0xa5: {  	_ = 	snop;
	(pc) =	sbr.rel @!p0 .LBB2_2-.Ltmp0, $4  }
0xa6: {  	s15 =	sadd.s32 s15, s17;
	s16 =	simm.s32 $0xA00;
	[tilespmem:$0xBF0] =	vst v0  }
0xa7: {  	[hbm4b:s15+s3] =	stream.linear.scatter [tilespmem:s16], [sflag:$0x2], $0x200, $0x38;
	[tilespmem:$0x2480] =	vst v63  }
0xa8: {  	_ =	swait.ge [sflag:s6], $0x200  }
0xa9: {  	s17 =	sadd.s32 $0xFFFFFFFF, s31;
	[sflag:s6] =	ssyncset.done $0x0  }
.LBB2_1:
0xaa: {  	p0 =	sne.s32 s17, $0x1;
	s17 =	sadd.s32 $0xFFFFFFFF, s17;
	[sflag:s6] =	ssyncadd.s32 $0xFFFFFE00  }
0xab: {  	[spmem:s7], [sflag:s5] =	dma.local [hbm:s4], $0x310  }
0xac: {  	_ =	swait.ge [sflag:s6], $0x310  }
0xad: {  	[sflag:s6] =	ssyncset.done $0x0  }
0xae: {  	[sflag:s6] =	ssyncadd.s32 $0xFFFFFCF0  }
0xaf: {  	[tilespmem:s3], [sflag:$0x2] =	stream.linear.gather [hbm4b:s8+s3], $0x200, $0x38;
	[tilespmem:$0x2480] =	vst v63  }
0xb0: {  	_ =	swait.ge [sflag:s6], $0x200  }
0xb1: {  	[sflag:s6] =	ssyncset.done $0x0  }
0xb2: {  	[sflag:s6] =	ssyncadd.s32 $0xFFFFFE00  }
0xb3: {  	[tilespmem:s10], [sflag:$0x2] =	stream.linear.gather [hbm4b:s9+s3], $0x200, $0x38;
	[tilespmem:$0x2480] =	vst v63  }
0xb4: {  	_ =	swait.ge [sflag:s6], $0x200  }
0xb5: {  	[sflag:s6] =	ssyncset.done $0x0  }
0xb6: {  	[sflag:s6] =	ssyncadd.s32 $0xFFFFFE00  }
0xb7: {  	[tilespmem:s12], [sflag:$0x2] =	stream.linear.gather [hbm4b:s11+s3], $0x400, $0x38;
	[tilespmem:$0x2480] =	vst v63  }
0xb8: {  	_ =	swait.ge [sflag:s6], $0x400  }
0xb9: {  	[sflag:s6] =	ssyncset.done $0x0  }
0xba: {  	[sflag:s6] =	ssyncadd.s32 $0xFFFFFC00  }
0xbb: {  	[bflag:$0x0] =	sbarrier.arrive $0xFFFF  }
0xbc: {  	[tilespmem:s13], [sflag:$0x1] =	stream.indirect.gather [spmem:s2], $0x1, s3, s10, $0xb8;
	[tilespmem:$0x2480] =	vst v63  }
0xbd: {  	_ =	swait.ge [sflag:s14], $0x200  }
0xbe: {  	[sflag:s14] =	ssyncset.done $0x0  }
0xbf: {  	[sflag:s14] =	ssyncadd.s32 $0xFFFFFE00  }
0xc0: {  	v0 =	vld [tilespmem:$0x200];
	_ =	sdelay $0x6  }
0xc1: {  	v1 =	vld [tilespmem:$0x210]  }
0xc2: {  	v0 =	vld.idx.msk [tilespmem:v0+s12+$0x0], $0xffff  }
0xc3: {  	v2 =	vld [tilespmem:$0x400];
	_ =	sdelay $0x4  }
0xc4: {  	v0 =	vadd.f32 v2, v0;
	_ =	sdelay $0x1  }
0xc5: {  	[tilespmem:$0xA00] =	vst v0;
	v0 =	vld [tilespmem:$0x220]  }
0xc6: {  	v1 =	vld.idx.msk [tilespmem:v1+s12+$0x0], $0xffff  }
0xc7: {  	v2 =	vld [tilespmem:$0x410];
	_ =	sdelay $0x4  }
0xc8: {  	v1 =	vadd.f32 v2, v1;
	_ =	sdelay $0x1  }
0xc9: {  	[tilespmem:$0xA10] =	vst v1;
	v1 =	vld [tilespmem:$0x230]  }
0xca: {  	v0 =	vld.idx.msk [tilespmem:v0+s12+$0x0], $0xffff  }
0xcb: {  	v2 =	vld [tilespmem:$0x420];
	_ =	sdelay $0x4  }
0xcc: {  	v0 =	vadd.f32 v2, v0;
	_ =	sdelay $0x1  }
0xcd: {  	[tilespmem:$0xA20] =	vst v0;
	v0 =	vld [tilespmem:$0x240]  }
0xce: {  	v1 =	vld.idx.msk [tilespmem:v1+s12+$0x0], $0xffff  }
0xcf: {  	v2 =	vld [tilespmem:$0x430];
	_ =	sdelay $0x4  }
0xd0: {  	v1 =	vadd.f32 v2, v1;
	_ =	sdelay $0x1  }
0xd1: {  	[tilespmem:$0xA30] =	vst v1;
	v1 =	vld [tilespmem:$0x250]  }
0xd2: {  	v0 =	vld.idx.msk [tilespmem:v0+s12+$0x0], $0xffff  }
0xd3: {  	v2 =	vld [tilespmem:$0x440];
	_ =	sdelay $0x4  }
0xd4: {  	v0 =	vadd.f32 v2, v0;
	_ =	sdelay $0x1  }
0xd5: {  	[tilespmem:$0xA40] =	vst v0;
	v0 =	vld [tilespmem:$0x260]  }
0xd6: {  	v1 =	vld.idx.msk [tilespmem:v1+s12+$0x0], $0xffff  }
0xd7: {  	v2 =	vld [tilespmem:$0x450];
	_ =	sdelay $0x4  }
0xd8: {  	v1 =	vadd.f32 v2, v1;
	_ =	sdelay $0x1  }
0xd9: {  	[tilespmem:$0xA50] =	vst v1;
	v1 =	vld [tilespmem:$0x270]  }
0xda: {  	v0 =	vld.idx.msk [tilespmem:v0+s12+$0x0], $0xffff  }
0xdb: {  	v2 =	vld [tilespmem:$0x460];
	_ =	sdelay $0x4  }
0xdc: {  	v0 =	vadd.f32 v2, v0;
	_ =	sdelay $0x1  }
0xdd: {  	[tilespmem:$0xA60] =	vst v0;
	v0 =	vld [tilespmem:$0x280]  }
0xde: {  	v1 =	vld.idx.msk [tilespmem:v1+s12+$0x0], $0xffff  }
0xdf: {  	v2 =	vld [tilespmem:$0x470];
	_ =	sdelay $0x4  }
0xe0: {  	v1 =	vadd.f32 v2, v1;
	_ =	sdelay $0x1  }
0xe1: {  	[tilespmem:$0xA70] =	vst v1;
	v1 =	vld [tilespmem:$0x290]  }
0xe2: {  	v0 =	vld.idx.msk [tilespmem:v0+s12+$0x0], $0xffff  }
0xe3: {  	v2 =	vld [tilespmem:$0x480];
	_ =	sdelay $0x4  }
0xe4: {  	v0 =	vadd.f32 v2, v0;
	_ =	sdelay $0x1  }
0xe5: {  	[tilespmem:$0xA80] =	vst v0;
	v0 =	vld [tilespmem:$0x2A0]  }
0xe6: {  	v1 =	vld.idx.msk [tilespmem:v1+s12+$0x0], $0xffff  }
0xe7: {  	v2 =	vld [tilespmem:$0x490];
	_ =	sdelay $0x4  }
0xe8: {  	v1 =	vadd.f32 v2, v1;
	_ =	sdelay $0x1  }
0xe9: {  	[tilespmem:$0xA90] =	vst v1;
	v1 =	vld [tilespmem:$0x2B0]  }
0xea: {  	v0 =	vld.idx.msk [tilespmem:v0+s12+$0x0], $0xffff  }
0xeb: {  	v2 =	vld [tilespmem:$0x4A0];
	_ =	sdelay $0x4  }
0xec: {  	v0 =	vadd.f32 v2, v0;
	_ =	sdelay $0x1  }
0xed: {  	[tilespmem:$0xAA0] =	vst v0;
	v0 =	vld [tilespmem:$0x2C0]  }
0xee: {  	v1 =	vld.idx.msk [tilespmem:v1+s12+$0x0], $0xffff  }
0xef: {  	v2 =	vld [tilespmem:$0x4B0];
	_ =	sdelay $0x4  }
0xf0: {  	v1 =	vadd.f32 v2, v1;
	_ =	sdelay $0x1  }
0xf1: {  	[tilespmem:$0xAB0] =	vst v1;
	v1 =	vld [tilespmem:$0x2D0]  }
0xf2: {  	v0 =	vld.idx.msk [tilespmem:v0+s12+$0x0], $0xffff  }
0xf3: {  	v2 =	vld [tilespmem:$0x4C0];
	_ =	sdelay $0x4  }
0xf4: {  	v0 =	vadd.f32 v2, v0;
	_ =	sdelay $0x1  }
0xf5: {  	[tilespmem:$0xAC0] =	vst v0;
	v0 =	vld [tilespmem:$0x2E0]  }
0xf6: {  	v1 =	vld.idx.msk [tilespmem:v1+s12+$0x0], $0xffff  }
0xf7: {  	v2 =	vld [tilespmem:$0x4D0];
	_ =	sdelay $0x4  }
0xf8: {  	v1 =	vadd.f32 v2, v1;
	_ =	sdelay $0x1  }
0xf9: {  	[tilespmem:$0xAD0] =	vst v1;
	v1 =	vld [tilespmem:$0x2F0]  }
0xfa: {  	v0 =	vld.idx.msk [tilespmem:v0+s12+$0x0], $0xffff  }
0xfb: {  	v2 =	vld [tilespmem:$0x4E0];
	_ =	sdelay $0x4  }
0xfc: {  	v0 =	vadd.f32 v2, v0;
	_ =	sdelay $0x1  }
0xfd: {  	[tilespmem:$0xAE0] =	vst v0;
	v0 =	vld [tilespmem:$0x300]  }
0xfe: {  	v1 =	vld.idx.msk [tilespmem:v1+s12+$0x0], $0xffff  }
0xff: {  	v2 =	vld [tilespmem:$0x4F0];
	_ =	sdelay $0x4  }
0x100: {  	v1 =	vadd.f32 v2, v1;
	_ =	sdelay $0x1  }
0x101: {  	[tilespmem:$0xAF0] =	vst v1;
	v1 =	vld [tilespmem:$0x310]  }
0x102: {  	v0 =	vld.idx.msk [tilespmem:v0+s12+$0x0], $0xffff  }
0x103: {  	v2 =	vld [tilespmem:$0x500];
	_ =	sdelay $0x4  }
0x104: {  	v0 =	vadd.f32 v2, v0;
	_ =	sdelay $0x1  }
0x105: {  	[tilespmem:$0xB00] =	vst v0;
	v0 =	vld [tilespmem:$0x320]  }
0x106: {  	v1 =	vld.idx.msk [tilespmem:v1+s12+$0x0], $0xffff  }
0x107: {  	v2 =	vld [tilespmem:$0x510];
	_ =	sdelay $0x4  }
0x108: {  	v1 =	vadd.f32 v2, v1;
	_ =	sdelay $0x1  }
0x109: {  	[tilespmem:$0xB10] =	vst v1;
	v1 =	vld [tilespmem:$0x330]  }
0x10a: {  	v0 =	vld.idx.msk [tilespmem:v0+s12+$0x0], $0xffff  }
0x10b: {  	v2 =	vld [tilespmem:$0x520];
	_ =	sdelay $0x4  }
0x10c: {  	v0 =	vadd.f32 v2, v0;
	_ =	sdelay $0x1  }
0x10d: {  	[tilespmem:$0xB20] =	vst v0;
	v0 =	vld [tilespmem:$0x340]  }
0x10e: {  	v1 =	vld.idx.msk [tilespmem:v1+s12+$0x0], $0xffff  }
0x10f: {  	v2 =	vld [tilespmem:$0x530];
	_ =	sdelay $0x4  }
0x110: {  	v1 =	vadd.f32 v2, v1;
	_ =	sdelay $0x1  }
0x111: {  	[tilespmem:$0xB30] =	vst v1;
	v1 =	vld [tilespmem:$0x350]  }
0x112: {  	v0 =	vld.idx.msk [tilespmem:v0+s12+$0x0], $0xffff  }
0x113: {  	v2 =	vld [tilespmem:$0x540];
	_ =	sdelay $0x4  }
0x114: {  	v0 =	vadd.f32 v2, v0;
	_ =	sdelay $0x1  }
0x115: {  	[tilespmem:$0xB40] =	vst v0;
	v0 =	vld [tilespmem:$0x360]  }
0x116: {  	v1 =	vld.idx.msk [tilespmem:v1+s12+$0x0], $0xffff  }
0x117: {  	v2 =	vld [tilespmem:$0x550];
	_ =	sdelay $0x4  }
0x118: {  	v1 =	vadd.f32 v2, v1;
	_ =	sdelay $0x1  }
0x119: {  	[tilespmem:$0xB50] =	vst v1;
	v1 =	vld [tilespmem:$0x370]  }
0x11a: {  	v0 =	vld.idx.msk [tilespmem:v0+s12+$0x0], $0xffff  }
0x11b: {  	v2 =	vld [tilespmem:$0x560];
	_ =	sdelay $0x4  }
0x11c: {  	v0 =	vadd.f32 v2, v0;
	_ =	sdelay $0x1  }
0x11d: {  	[tilespmem:$0xB60] =	vst v0;
	v0 =	vld [tilespmem:$0x380]  }
0x11e: {  	v1 =	vld.idx.msk [tilespmem:v1+s12+$0x0], $0xffff  }
0x11f: {  	v2 =	vld [tilespmem:$0x570];
	_ =	sdelay $0x4  }
0x120: {  	v1 =	vadd.f32 v2, v1;
	_ =	sdelay $0x1  }
0x121: {  	[tilespmem:$0xB70] =	vst v1;
	v1 =	vld [tilespmem:$0x390]  }
0x122: {  	v0 =	vld.idx.msk [tilespmem:v0+s12+$0x0], $0xffff  }
0x123: {  	v2 =	vld [tilespmem:$0x580];
	_ =	sdelay $0x4  }
0x124: {  	v0 =	vadd.f32 v2, v0;
	_ =	sdelay $0x1  }
0x125: {  	[tilespmem:$0xB80] =	vst v0;
	v0 =	vld [tilespmem:$0x3A0]  }
0x126: {  	v1 =	vld.idx.msk [tilespmem:v1+s12+$0x0], $0xffff  }
0x127: {  	v2 =	vld [tilespmem:$0x590];
	_ =	sdelay $0x4  }
0x128: {  	v1 =	vadd.f32 v2, v1;
	_ =	sdelay $0x1  }
0x129: {  	[tilespmem:$0xB90] =	vst v1;
	v1 =	vld [tilespmem:$0x3B0]  }
0x12a: {  	v0 =	vld.idx.msk [tilespmem:v0+s12+$0x0], $0xffff  }
0x12b: {  	v2 =	vld [tilespmem:$0x5A0];
	_ =	sdelay $0x4  }
0x12c: {  	v0 =	vadd.f32 v2, v0;
	_ =	sdelay $0x1  }
0x12d: {  	[tilespmem:$0xBA0] =	vst v0;
	v0 =	vld [tilespmem:$0x3C0]  }
0x12e: {  	v1 =	vld.idx.msk [tilespmem:v1+s12+$0x0], $0xffff  }
0x12f: {  	v2 =	vld [tilespmem:$0x5B0];
	_ =	sdelay $0x4  }
0x130: {  	v1 =	vadd.f32 v2, v1;
	_ =	sdelay $0x1  }
0x131: {  	[tilespmem:$0xBB0] =	vst v1;
	v1 =	vld [tilespmem:$0x3D0]  }
0x132: {  	v0 =	vld.idx.msk [tilespmem:v0+s12+$0x0], $0xffff  }
0x133: {  	v2 =	vld [tilespmem:$0x5C0];
	_ =	sdelay $0x4  }
0x134: {  	v0 =	vadd.f32 v2, v0;
	_ =	sdelay $0x1  }
0x135: {  	[tilespmem:$0xBC0] =	vst v0;
	v0 =	vld [tilespmem:$0x3E0]  }
0x136: {  	v1 =	vld.idx.msk [tilespmem:v1+s12+$0x0], $0xffff  }
0x137: {  	v2 =	vld [tilespmem:$0x5D0];
	_ =	sdelay $0x4  }
0x138: {  	v1 =	vadd.f32 v2, v1;
	_ =	sdelay $0x1  }
0x139: {  	[tilespmem:$0xBD0] =	vst v1;
	v1 =	vld [tilespmem:$0x3F0]  }
0x13a: {  	v0 =	vld.idx.msk [tilespmem:v0+s12+$0x0], $0xffff  }
0x13b: {  	v2 =	vld [tilespmem:$0x5E0];
	_ =	sdelay $0x4  }
0x13c: {  	v0 =	vadd.f32 v2, v0;
	_ =	sdelay $0x1  }
0x13d: {  	[tilespmem:$0xBE0] =	vst v0  }
0x13e: {  	v0 =	vld.idx.msk [tilespmem:v1+s12+$0x0], $0xffff  }
0x13f: {  	v1 =	vld [tilespmem:$0x5F0];
	_ =	sdelay $0x4  }
0x140: {  	v0 =	vadd.f32 v1, v0  }
.Ltmp1:
0x141: {  	(pc) =	sbr.rel @p0 .LBB2_1-.Ltmp1, $4  }
0x142: {  	[tilespmem:$0xBF0] =	vst v0  }
0x143: {  	[hbm4b:s15+s3] =	stream.linear.scatter [tilespmem:s16], [sflag:$0x2], $0x200, $0x38;
	[tilespmem:$0x2480] =	vst v63  }
0x144: {  	_ =	swait.ge [sflag:s6], $0x200  }
0x145: {  	[sflag:s6] =	ssyncset.done $0x0  }
.LBB2_2:
0x146: {  	[sflag:s6] =	ssyncadd.s32 $0xFFFFFE00  }
0x147: {  	_ =	sfence.sel $0x180000  }
0x148: {  	[bflag:$0x0] =	sbarrier.arrive $0xFFFF  }
0x149: {  	p0 =	sne.s32 s0, $0x0;
	_ =	strace $0x90000047  }
0x14a: {  	s0 =	sadd.s32 @!p0 $0x100000, s1;
	[bflag:$0x2] =	sbarrier.arrive $0xFFFF  }
0x14b: {  	[sflag:s0] =	ssyncadd.tile.s32 @!p0 $0x1;
	_ =	shalt  }
.Lfunc_end2:
_tile_overlayer_lowered:
.L_overlay_start_2:
0x14c: {  	(tag) =	ssettag $0x2  }
0x14d: {  	s0 =	rddreg [dreg:$0x0];
	s2 =	stileid.u32  }
0x14e: {  	s1 =	rddreg [dreg:$0x1];
	p0 =	sne.s32 s2, $0x0  }
0x14f: {  	s3 =	rddreg [dreg:$0x2];
	[bflag:$0x3] =	sbarrier.arrive $0xFFFF;
	s2 =	simm.s32 @!p0 $0x1C02  }
0x150: {  	[timem:s3], [sflag:s2] =	dma.local @!p0 [hbm:s0], s1  }
0x151: {  	s0 =	simm.s32 @!p0 $0x2  }
0x152: {  	_ =	swait.ge @!p0 [sflag:s0], s1  }
0x153: {  	s1 =	ssub.s32 @!p0 $0x0, s1;
	[sflag:s0] =	ssyncset.done @!p0 $0x0  }
0x154: {  	[sflag:s0] =	ssyncadd.s32 @!p0 s1  }
0x155: {  	[bflag:$0x3] =	sbarrier.arrive $0xFFFF  }
0x156: {  	_ =	shalt  }

</sc_bundles>
